<compile_context>
chip_gen: v7x
topology: tpu7x:2x2x1
jax: 0.10.2.dev20260603
libtpu: 0.0.44.dev20260713+nightly
codegen_flags: <defaults>
</compile_context>

<pallas_src>
import functools

import jax
import jax.numpy as jnp
from jax import lax
from jax.experimental import pallas as pl
from jax.experimental.pallas import tpu as pltpu
from jax.experimental.pallas import tpu_sc as plsc

_N = 50000
_F = 128
_R = 8

_BN = 400

_C = 96
_FULL = _N // _C
_TAIL = _N - _FULL * _C
_NCHUNK = _FULL + 1
_NW = 32
_ITER = -(-_NCHUNK // _NW)
_ADJ_PAD = (_FULL + 2) * _C


def _tc_body(nf_ref, w_ref, b_ref, x0_ref, p_ref):
    y = jnp.dot(nf_ref[...], w_ref[...], preferred_element_type=jnp.float32)
    x0_ref[...] = y[:, :_F] + b_ref[...]
    for r in range(_R):
        p_ref[r] = y[:, _F * (r + 1):_F * (r + 2)]


def _tc_project(nf, wcat, b2):
    return pl.pallas_call(
        _tc_body,
        grid=(_N // _BN,),
        in_specs=[
            pl.BlockSpec((_BN, _F), lambda i: (i, 0)),
            pl.BlockSpec((_F, (_R + 1) * _F), lambda i: (0, 0)),
            pl.BlockSpec((1, _F), lambda i: (0, 0)),
        ],
        out_specs=[
            pl.BlockSpec((_BN, _F), lambda i: (i, 0)),
            pl.BlockSpec((_R, _BN, _F), lambda i: (0, i, 0)),
        ],
        out_shape=[
            jax.ShapeDtypeStruct((_N, _F), jnp.float32),
            jax.ShapeDtypeStruct((_R, _N, _F), jnp.float32),
        ],
    )(nf, wcat, b2)


@functools.cache
def _sc_accum_fn():
    @functools.partial(
        pl.kernel,
        out_type=jax.ShapeDtypeStruct((_N, _F), jnp.float32),
        mesh=plsc.VectorSubcoreMesh(core_axis_name="c", subcore_axis_name="s"),
        scratch_types=[
            pltpu.VMEM((_R, _C), jnp.int32),
            pltpu.VMEM((_R, _C, _F), jnp.float32),
            pltpu.VMEM((_C, _F), jnp.float32),
            pltpu.SemaphoreType.DMA,
        ],
    )
    def _sc_accum(p_hbm, x0_hbm, adj_hbm, out_hbm, idx_v, rows_v, acc_v, sem):
        wid = lax.axis_index("s") * 2 + lax.axis_index("c")

        def chunk_body(i, carry):
            cid = i * _NW + wid
            base = pl.multiple_of(cid * _C, 8)

            @pl.when(cid < _NCHUNK)
            def _():
                for r in range(_R):
                    pltpu.sync_copy(
                        adj_hbm.at[pl.ds(r * _ADJ_PAD + base, _C)], idx_v.at[r]
                    )
                copies = [
                    pltpu.async_copy(p_hbm.at[idx_v.at[r]], rows_v.at[r], sem)
                    for r in range(_R)
                ]

                @pl.when(cid < _FULL)
                def _():
                    pltpu.sync_copy(x0_hbm.at[pl.ds(base, _C)], acc_v)

                @pl.when(cid == _FULL)
                def _():
                    pltpu.sync_copy(
                        x0_hbm.at[pl.ds(base, _TAIL)], acc_v.at[pl.ds(0, _TAIL)]
                    )

                for cp in copies:
                    cp.wait()

                def row_body(row, c_):
                    for c in range(_F // 16):
                        v = acc_v[row, pl.ds(c * 16, 16)]
                        for r in range(_R):
                            v = v + rows_v[r, row, pl.ds(c * 16, 16)]
                        acc_v[row, pl.ds(c * 16, 16)] = jnp.maximum(v, 0.0)
                    return c_

                lax.fori_loop(0, _C, row_body, 0)

                @pl.when(cid < _FULL)
                def _():
                    pltpu.sync_copy(acc_v, out_hbm.at[pl.ds(base, _C)])

                @pl.when(cid == _FULL)
                def _():
                    pltpu.sync_copy(
                        acc_v.at[pl.ds(0, _TAIL)], out_hbm.at[pl.ds(base, _TAIL)]
                    )

            return carry

        lax.fori_loop(0, _ITER, chunk_body, 0)

    return _sc_accum


def kernel(adjacency_list, node_features, W, b, rel_W):
    adj = adjacency_list.astype(jnp.int32)
    nf = node_features.astype(jnp.float32)
    wcat = jnp.concatenate([W[None], rel_W], axis=0)
    wcat = jnp.transpose(wcat, (2, 0, 1)).reshape(_F, (_R + 1) * _F)
    b2 = b.reshape(1, _F).astype(jnp.float32)
    x0, p = _tc_project(nf, wcat, b2)
    pflat = p.reshape(_R * _N, _F)
    adj_pad = jnp.pad(adj, ((0, 0), (0, _ADJ_PAD - _N)))
    adj_off = adj_pad + (jnp.arange(_R, dtype=jnp.int32) * _N)[:, None]
    return _sc_accum_fn()(pflat, x0, adj_off.reshape(_R * _ADJ_PAD))

# --- scband reference (transcript-rebuilt; emitter-appended) ---
"""Pipeline reference for scband-rgcnlayer-84662395338982 (READ-ONLY COPY).

The authoritative reference and input builder live on the scoring server;
editing this copy changes nothing except your own understanding.
"""

import jax, jax.numpy as jnp
import numpy as np

N = 50000
IN_F = 128
OUT_F = 128
R = 8


def setup_inputs(seed: int = 0) -> dict:
    key = jax.random.key(seed)
    k1, k2, k3, k4, k5 = jax.random.split(key, 5)
    node_features = jax.random.normal(k1, (N, IN_F), dtype=jnp.float32)
    # adjacency_list: for each relation r, a length-N list of neighbor node indices.
    # (The torch module's dict {r: [node ids]} requires each list to broadcast
    # against x[N, out], i.e. length N, so we materialize it as int[R, N].)
    adjacency_list = jax.random.randint(k2, (R, N), 0, N)
    # Parameters per init_kwargs: main linear (weight+bias) and R relation linears (weight only used).
    W = jax.random.normal(k3, (OUT_F, IN_F), dtype=jnp.float32) * 0.05
    b = jnp.zeros((OUT_F,), dtype=jnp.float32)
    rel_W = jax.random.normal(k4, (R, OUT_F, IN_F), dtype=jnp.float32) * 0.05
    return {
        "adjacency_list": adjacency_list,
        "node_features": node_features,
        "W": W,
        "b": b,
        "rel_W": rel_W,
    }


def reference(adjacency_list, node_features, W, b, rel_W):
    # x = self.linear(node_features)
    x = node_features @ W.T + b
    # for each relation: gather neighbor features, project with that relation's
    # weight (weight.t() => @ rel_W[r].T), accumulate into x.
    num_rel = rel_W.shape[0]
    for r in range(num_rel):
        neighbor_features = jnp.take(node_features, adjacency_list[r], axis=0)
        x = x + neighbor_features @ rel_W[r].T
    return jax.nn.relu(x)

if __name__ == "__main__":
    import jax
    _d = setup_inputs()
    print(jax.jit(kernel)(*tuple(_d.values())))

</pallas_src>

<mosaic_0001>
#map = affine_map<(d0, d1) -> (0, 0)>
#map1 = affine_map<(d0, d1) -> (0)>
module attributes {stable_mosaic.version = 14 : i64} {
  func.func @_sc_accum(%arg0: i32, %arg1: i32, %arg2: memref<400000x128xf32, #tpu.memory_space<hbm>>, %arg3: memref<50000x128xf32, #tpu.memory_space<hbm>>, %arg4: memref<400896xi32, #tpu.memory_space<hbm>>, %arg5: memref<50000x128xf32, #tpu.memory_space<hbm>>, %arg6: memref<8x96xi32, #tpu.memory_space<vmem>>, %arg7: memref<8x96x128xf32, #tpu.memory_space<vmem>>, %arg8: memref<96x128xf32, #tpu.memory_space<vmem>>, %arg9: memref<!tpu.dma_semaphore, #tpu.memory_space<semaphore_mem>>) attributes {dimension_semantics = [#tpu.dimension_semantics<core_parallel>, #tpu.dimension_semantics<subcore_parallel>], iteration_bounds = array<i64: 2, 16>, scalar_prefetch = 0 : i64, scratch_operands = 4 : i64, tpu.core_type = #tpu.core_type<sc_vector_subcore>, window_params = [{transform_indices = #map}, {transform_indices = #map}, {transform_indices = #map1}, {transform_indices = #map}]} {
    %mul3A = arith.constant 2 : i32
    %mul3A_0 = arith.muli %arg1, %mul3A : i32
    %add3A = arith.addi %mul3A_0, %arg0 : i32
    %scan3A = arith.constant 0 : i32
    %scan3A_1 = arith.constant 0 : i32
    %scan3A_2 = arith.constant 17 : i32
    %scan3A_3 = arith.addi %scan3A_1, %scan3A_2 : i32
    %scan3A_4 = arith.constant 1 : i32
    scf.for %scan3A_6 = %scan3A_1 to %scan3A_3 step %scan3A_4  : i32 {
      %mul3A_7 = arith.constant 32 : i32
      %mul3A_8 = arith.muli %scan3A_6, %mul3A_7 : i32
      %add3A_9 = arith.addi %mul3A_8, %add3A : i32
      %mul3A_10 = arith.constant 96 : i32
      %mul3A_11 = arith.muli %add3A_9, %mul3A_10 : i32
      %multiple_of3A = tpu.assume_multiple %mul3A_11, 8 : i32
      %lt3A = arith.constant 521 : i32
      %lt3A_12 = arith.cmpi slt, %add3A_9, %lt3A : i32
      %convert_element_type3A = arith.extui %lt3A_12 : i1 to i32
      %cond3A = arith.constant 0 : i32
      %cond3A_13 = arith.cmpi ne, %convert_element_type3A, %cond3A : i32
      scf.if %cond3A_13 {
        %add3A_14 = arith.constant 0 : i32
        %add3A_15 = arith.addi %add3A_14, %multiple_of3A : i32
        %run_scoped3A = arith.constant 0 : i32
        "tpu.region"() ({
          %run_scoped3A_252 = tpu.sem_alloc : memref<!tpu.dma_semaphore, #tpu.memory_space<semaphore_mem>>
          %dma_start3A_253 = arith.constant 0 : i32
          %dma_start3A_254 = tpu.memref_slice %arg6[%run_scoped3A, %dma_start3A_253] : memref<8x96xi32, #tpu.memory_space<vmem>> -> memref<1x96xi32, #tpu.memory_space<vmem>>
          %dma_start3A_255 = tpu.memref_squeeze %dma_start3A_254 : memref<1x96xi32, #tpu.memory_space<vmem>> -> memref<96xi32, #tpu.memory_space<vmem>>
          %dma_start3A_256 = tpu.memref_slice %arg4[%add3A_15] : memref<400896xi32, #tpu.memory_space<hbm>> -> memref<96xi32, #tpu.memory_space<hbm>>
          %dma_start3A_257 = arith.constant 0 : i32
          %dma_start3A_258 = tpu.memref_slice %arg6[%run_scoped3A, %dma_start3A_257] : memref<8x96xi32, #tpu.memory_space<vmem>> -> memref<1x96xi32, #tpu.memory_space<vmem>>
          %dma_start3A_259 = tpu.memref_squeeze %dma_start3A_258 : memref<1x96xi32, #tpu.memory_space<vmem>> -> memref<96xi32, #tpu.memory_space<vmem>>
          %dma_start3A_260 = tpu.memref_slice %arg4[%add3A_15] : memref<400896xi32, #tpu.memory_space<hbm>> -> memref<96xi32, #tpu.memory_space<hbm>>
          tpu.enqueue_dma source(%dma_start3A_260 : memref<96xi32, #tpu.memory_space<hbm>>) target(%dma_start3A_259 : memref<96xi32, #tpu.memory_space<vmem>>) target_semaphore(%run_scoped3A_252 : memref<!tpu.dma_semaphore, #tpu.memory_space<semaphore_mem>>)
          %dma_wait3A_261 = arith.constant 0 : i32
          %dma_wait3A_262 = tpu.memref_slice %arg6[%run_scoped3A, %dma_wait3A_261] : memref<8x96xi32, #tpu.memory_space<vmem>> -> memref<1x96xi32, #tpu.memory_space<vmem>>
          %dma_wait3A_263 = tpu.memref_squeeze %dma_wait3A_262 : memref<1x96xi32, #tpu.memory_space<vmem>> -> memref<96xi32, #tpu.memory_space<vmem>>
          %dma_wait3A_264 = tpu.memref_slice %arg4[%add3A_15] : memref<400896xi32, #tpu.memory_space<hbm>> -> memref<96xi32, #tpu.memory_space<hbm>>
          %dma_wait3A_265 = arith.constant 0 : i32
          %dma_wait3A_266 = tpu.memref_slice %arg6[%run_scoped3A, %dma_wait3A_265] : memref<8x96xi32, #tpu.memory_space<vmem>> -> memref<1x96xi32, #tpu.memory_space<vmem>>
          %dma_wait3A_267 = tpu.memref_squeeze %dma_wait3A_266 : memref<1x96xi32, #tpu.memory_space<vmem>> -> memref<96xi32, #tpu.memory_space<vmem>>
          %dma_wait3A_268 = tpu.memref_slice %arg4[%add3A_15] : memref<400896xi32, #tpu.memory_space<hbm>> -> memref<96xi32, #tpu.memory_space<hbm>>
          tpu.wait_dma2 semaphore(%run_scoped3A_252 : memref<!tpu.dma_semaphore, #tpu.memory_space<semaphore_mem>>) src(%dma_wait3A_268 : memref<96xi32, #tpu.memory_space<hbm>>) dst(%dma_wait3A_267 : memref<96xi32, #tpu.memory_space<vmem>>)
          tpu.yield
        }) : () -> ()
        %add3A_16 = arith.constant 50112 : i32
        %add3A_17 = arith.addi %add3A_16, %multiple_of3A : i32
        %run_scoped3A_18 = arith.constant 1 : i32
        "tpu.region"() ({
          %run_scoped3A_252 = tpu.sem_alloc : memref<!tpu.dma_semaphore, #tpu.memory_space<semaphore_mem>>
          %dma_start3A_253 = arith.constant 0 : i32
          %dma_start3A_254 = tpu.memref_slice %arg6[%run_scoped3A_18, %dma_start3A_253] : memref<8x96xi32, #tpu.memory_space<vmem>> -> memref<1x96xi32, #tpu.memory_space<vmem>>
          %dma_start3A_255 = tpu.memref_squeeze %dma_start3A_254 : memref<1x96xi32, #tpu.memory_space<vmem>> -> memref<96xi32, #tpu.memory_space<vmem>>
          %dma_start3A_256 = tpu.memref_slice %arg4[%add3A_17] : memref<400896xi32, #tpu.memory_space<hbm>> -> memref<96xi32, #tpu.memory_space<hbm>>
          %dma_start3A_257 = arith.constant 0 : i32
          %dma_start3A_258 = tpu.memref_slice %arg6[%run_scoped3A_18, %dma_start3A_257] : memref<8x96xi32, #tpu.memory_space<vmem>> -> memref<1x96xi32, #tpu.memory_space<vmem>>
          %dma_start3A_259 = tpu.memref_squeeze %dma_start3A_258 : memref<1x96xi32, #tpu.memory_space<vmem>> -> memref<96xi32, #tpu.memory_space<vmem>>
          %dma_start3A_260 = tpu.memref_slice %arg4[%add3A_17] : memref<400896xi32, #tpu.memory_space<hbm>> -> memref<96xi32, #tpu.memory_space<hbm>>
          tpu.enqueue_dma source(%dma_start3A_260 : memref<96xi32, #tpu.memory_space<hbm>>) target(%dma_start3A_259 : memref<96xi32, #tpu.memory_space<vmem>>) target_semaphore(%run_scoped3A_252 : memref<!tpu.dma_semaphore, #tpu.memory_space<semaphore_mem>>)
          %dma_wait3A_261 = arith.constant 0 : i32
          %dma_wait3A_262 = tpu.memref_slice %arg6[%run_scoped3A_18, %dma_wait3A_261] : memref<8x96xi32, #tpu.memory_space<vmem>> -> memref<1x96xi32, #tpu.memory_space<vmem>>
          %dma_wait3A_263 = tpu.memref_squeeze %dma_wait3A_262 : memref<1x96xi32, #tpu.memory_space<vmem>> -> memref<96xi32, #tpu.memory_space<vmem>>
          %dma_wait3A_264 = tpu.memref_slice %arg4[%add3A_17] : memref<400896xi32, #tpu.memory_space<hbm>> -> memref<96xi32, #tpu.memory_space<hbm>>
          %dma_wait3A_265 = arith.constant 0 : i32
          %dma_wait3A_266 = tpu.memref_slice %arg6[%run_scoped3A_18, %dma_wait3A_265] : memref<8x96xi32, #tpu.memory_space<vmem>> -> memref<1x96xi32, #tpu.memory_space<vmem>>
          %dma_wait3A_267 = tpu.memref_squeeze %dma_wait3A_266 : memref<1x96xi32, #tpu.memory_space<vmem>> -> memref<96xi32, #tpu.memory_space<vmem>>
          %dma_wait3A_268 = tpu.memref_slice %arg4[%add3A_17] : memref<400896xi32, #tpu.memory_space<hbm>> -> memref<96xi32, #tpu.memory_space<hbm>>
          tpu.wait_dma2 semaphore(%run_scoped3A_252 : memref<!tpu.dma_semaphore, #tpu.memory_space<semaphore_mem>>) src(%dma_wait3A_268 : memref<96xi32, #tpu.memory_space<hbm>>) dst(%dma_wait3A_267 : memref<96xi32, #tpu.memory_space<vmem>>)
          tpu.yield
        }) : () -> ()
        %add3A_19 = arith.constant 100224 : i32
        %add3A_20 = arith.addi %add3A_19, %multiple_of3A : i32
        %run_scoped3A_21 = arith.constant 2 : i32
        "tpu.region"() ({
          %run_scoped3A_252 = tpu.sem_alloc : memref<!tpu.dma_semaphore, #tpu.memory_space<semaphore_mem>>
          %dma_start3A_253 = arith.constant 0 : i32
          %dma_start3A_254 = tpu.memref_slice %arg6[%run_scoped3A_21, %dma_start3A_253] : memref<8x96xi32, #tpu.memory_space<vmem>> -> memref<1x96xi32, #tpu.memory_space<vmem>>
          %dma_start3A_255 = tpu.memref_squeeze %dma_start3A_254 : memref<1x96xi32, #tpu.memory_space<vmem>> -> memref<96xi32, #tpu.memory_space<vmem>>
          %dma_start3A_256 = tpu.memref_slice %arg4[%add3A_20] : memref<400896xi32, #tpu.memory_space<hbm>> -> memref<96xi32, #tpu.memory_space<hbm>>
          %dma_start3A_257 = arith.constant 0 : i32
          %dma_start3A_258 = tpu.memref_slice %arg6[%run_scoped3A_21, %dma_start3A_257] : memref<8x96xi32, #tpu.memory_space<vmem>> -> memref<1x96xi32, #tpu.memory_space<vmem>>
          %dma_start3A_259 = tpu.memref_squeeze %dma_start3A_258 : memref<1x96xi32, #tpu.memory_space<vmem>> -> memref<96xi32, #tpu.memory_space<vmem>>
          %dma_start3A_260 = tpu.memref_slice %arg4[%add3A_20] : memref<400896xi32, #tpu.memory_space<hbm>> -> memref<96xi32, #tpu.memory_space<hbm>>
          tpu.enqueue_dma source(%dma_start3A_260 : memref<96xi32, #tpu.memory_space<hbm>>) target(%dma_start3A_259 : memref<96xi32, #tpu.memory_space<vmem>>) target_semaphore(%run_scoped3A_252 : memref<!tpu.dma_semaphore, #tpu.memory_space<semaphore_mem>>)
          %dma_wait3A_261 = arith.constant 0 : i32
          %dma_wait3A_262 = tpu.memref_slice %arg6[%run_scoped3A_21, %dma_wait3A_261] : memref<8x96xi32, #tpu.memory_space<vmem>> -> memref<1x96xi32, #tpu.memory_space<vmem>>
          %dma_wait3A_263 = tpu.memref_squeeze %dma_wait3A_262 : memref<1x96xi32, #tpu.memory_space<vmem>> -> memref<96xi32, #tpu.memory_space<vmem>>
          %dma_wait3A_264 = tpu.memref_slice %arg4[%add3A_20] : memref<400896xi32, #tpu.memory_space<hbm>> -> memref<96xi32, #tpu.memory_space<hbm>>
          %dma_wait3A_265 = arith.constant 0 : i32
          %dma_wait3A_266 = tpu.memref_slice %arg6[%run_scoped3A_21, %dma_wait3A_265] : memref<8x96xi32, #tpu.memory_space<vmem>> -> memref<1x96xi32, #tpu.memory_space<vmem>>
          %dma_wait3A_267 = tpu.memref_squeeze %dma_wait3A_266 : memref<1x96xi32, #tpu.memory_space<vmem>> -> memref<96xi32, #tpu.memory_space<vmem>>
          %dma_wait3A_268 = tpu.memref_slice %arg4[%add3A_20] : memref<400896xi32, #tpu.memory_space<hbm>> -> memref<96xi32, #tpu.memory_space<hbm>>
          tpu.wait_dma2 semaphore(%run_scoped3A_252 : memref<!tpu.dma_semaphore, #tpu.memory_space<semaphore_mem>>) src(%dma_wait3A_268 : memref<96xi32, #tpu.memory_space<hbm>>) dst(%dma_wait3A_267 : memref<96xi32, #tpu.memory_space<vmem>>)
          tpu.yield
        }) : () -> ()
        %add3A_22 = arith.constant 150336 : i32
        %add3A_23 = arith.addi %add3A_22, %multiple_of3A : i32
        %run_scoped3A_24 = arith.constant 3 : i32
        "tpu.region"() ({
          %run_scoped3A_252 = tpu.sem_alloc : memref<!tpu.dma_semaphore, #tpu.memory_space<semaphore_mem>>
          %dma_start3A_253 = arith.constant 0 : i32
          %dma_start3A_254 = tpu.memref_slice %arg6[%run_scoped3A_24, %dma_start3A_253] : memref<8x96xi32, #tpu.memory_space<vmem>> -> memref<1x96xi32, #tpu.memory_space<vmem>>
          %dma_start3A_255 = tpu.memref_squeeze %dma_start3A_254 : memref<1x96xi32, #tpu.memory_space<vmem>> -> memref<96xi32, #tpu.memory_space<vmem>>
          %dma_start3A_256 = tpu.memref_slice %arg4[%add3A_23] : memref<400896xi32, #tpu.memory_space<hbm>> -> memref<96xi32, #tpu.memory_space<hbm>>
          %dma_start3A_257 = arith.constant 0 : i32
          %dma_start3A_258 = tpu.memref_slice %arg6[%run_scoped3A_24, %dma_start3A_257] : memref<8x96xi32, #tpu.memory_space<vmem>> -> memref<1x96xi32, #tpu.memory_space<vmem>>
          %dma_start3A_259 = tpu.memref_squeeze %dma_start3A_258 : memref<1x96xi32, #tpu.memory_space<vmem>> -> memref<96xi32, #tpu.memory_space<vmem>>
          %dma_start3A_260 = tpu.memref_slice %arg4[%add3A_23] : memref<400896xi32, #tpu.memory_space<hbm>> -> memref<96xi32, #tpu.memory_space<hbm>>
          tpu.enqueue_dma source(%dma_start3A_260 : memref<96xi32, #tpu.memory_space<hbm>>) target(%dma_start3A_259 : memref<96xi32, #tpu.memory_space<vmem>>) target_semaphore(%run_scoped3A_252 : memref<!tpu.dma_semaphore, #tpu.memory_space<semaphore_mem>>)
          %dma_wait3A_261 = arith.constant 0 : i32
          %dma_wait3A_262 = tpu.memref_slice %arg6[%run_scoped3A_24, %dma_wait3A_261] : memref<8x96xi32, #tpu.memory_space<vmem>> -> memref<1x96xi32, #tpu.memory_space<vmem>>
          %dma_wait3A_263 = tpu.memref_squeeze %dma_wait3A_262 : memref<1x96xi32, #tpu.memory_space<vmem>> -> memref<96xi32, #tpu.memory_space<vmem>>
          %dma_wait3A_264 = tpu.memref_slice %arg4[%add3A_23] : memref<400896xi32, #tpu.memory_space<hbm>> -> memref<96xi32, #tpu.memory_space<hbm>>
          %dma_wait3A_265 = arith.constant 0 : i32
          %dma_wait3A_266 = tpu.memref_slice %arg6[%run_scoped3A_24, %dma_wait3A_265] : memref<8x96xi32, #tpu.memory_space<vmem>> -> memref<1x96xi32, #tpu.memory_space<vmem>>
          %dma_wait3A_267 = tpu.memref_squeeze %dma_wait3A_266 : memref<1x96xi32, #tpu.memory_space<vmem>> -> memref<96xi32, #tpu.memory_space<vmem>>
          %dma_wait3A_268 = tpu.memref_slice %arg4[%add3A_23] : memref<400896xi32, #tpu.memory_space<hbm>> -> memref<96xi32, #tpu.memory_space<hbm>>
          tpu.wait_dma2 semaphore(%run_scoped3A_252 : memref<!tpu.dma_semaphore, #tpu.memory_space<semaphore_mem>>) src(%dma_wait3A_268 : memref<96xi32, #tpu.memory_space<hbm>>) dst(%dma_wait3A_267 : memref<96xi32, #tpu.memory_space<vmem>>)
          tpu.yield
        }) : () -> ()
        %add3A_25 = arith.constant 200448 : i32
        %add3A_26 = arith.addi %add3A_25, %multiple_of3A : i32
        %run_scoped3A_27 = arith.constant 4 : i32
        "tpu.region"() ({
          %run_scoped3A_252 = tpu.sem_alloc : memref<!tpu.dma_semaphore, #tpu.memory_space<semaphore_mem>>
          %dma_start3A_253 = arith.constant 0 : i32
          %dma_start3A_254 = tpu.memref_slice %arg6[%run_scoped3A_27, %dma_start3A_253] : memref<8x96xi32, #tpu.memory_space<vmem>> -> memref<1x96xi32, #tpu.memory_space<vmem>>
          %dma_start3A_255 = tpu.memref_squeeze %dma_start3A_254 : memref<1x96xi32, #tpu.memory_space<vmem>> -> memref<96xi32, #tpu.memory_space<vmem>>
          %dma_start3A_256 = tpu.memref_slice %arg4[%add3A_26] : memref<400896xi32, #tpu.memory_space<hbm>> -> memref<96xi32, #tpu.memory_space<hbm>>
          %dma_start3A_257 = arith.constant 0 : i32
          %dma_start3A_258 = tpu.memref_slice %arg6[%run_scoped3A_27, %dma_start3A_257] : memref<8x96xi32, #tpu.memory_space<vmem>> -> memref<1x96xi32, #tpu.memory_space<vmem>>
          %dma_start3A_259 = tpu.memref_squeeze %dma_start3A_258 : memref<1x96xi32, #tpu.memory_space<vmem>> -> memref<96xi32, #tpu.memory_space<vmem>>
          %dma_start3A_260 = tpu.memref_slice %arg4[%add3A_26] : memref<400896xi32, #tpu.memory_space<hbm>> -> memref<96xi32, #tpu.memory_space<hbm>>
          tpu.enqueue_dma source(%dma_start3A_260 : memref<96xi32, #tpu.memory_space<hbm>>) target(%dma_start3A_259 : memref<96xi32, #tpu.memory_space<vmem>>) target_semaphore(%run_scoped3A_252 : memref<!tpu.dma_semaphore, #tpu.memory_space<semaphore_mem>>)
          %dma_wait3A_261 = arith.constant 0 : i32
          %dma_wait3A_262 = tpu.memref_slice %arg6[%run_scoped3A_27, %dma_wait3A_261] : memref<8x96xi32, #tpu.memory_space<vmem>> -> memref<1x96xi32, #tpu.memory_space<vmem>>
          %dma_wait3A_263 = tpu.memref_squeeze %dma_wait3A_262 : memref<1x96xi32, #tpu.memory_space<vmem>> -> memref<96xi32, #tpu.memory_space<vmem>>
          %dma_wait3A_264 = tpu.memref_slice %arg4[%add3A_26] : memref<400896xi32, #tpu.memory_space<hbm>> -> memref<96xi32, #tpu.memory_space<hbm>>
          %dma_wait3A_265 = arith.constant 0 : i32
          %dma_wait3A_266 = tpu.memref_slice %arg6[%run_scoped3A_27, %dma_wait3A_265] : memref<8x96xi32, #tpu.memory_space<vmem>> -> memref<1x96xi32, #tpu.memory_space<vmem>>
          %dma_wait3A_267 = tpu.memref_squeeze %dma_wait3A_266 : memref<1x96xi32, #tpu.memory_space<vmem>> -> memref<96xi32, #tpu.memory_space<vmem>>
          %dma_wait3A_268 = tpu.memref_slice %arg4[%add3A_26] : memref<400896xi32, #tpu.memory_space<hbm>> -> memref<96xi32, #tpu.memory_space<hbm>>
          tpu.wait_dma2 semaphore(%run_scoped3A_252 : memref<!tpu.dma_semaphore, #tpu.memory_space<semaphore_mem>>) src(%dma_wait3A_268 : memref<96xi32, #tpu.memory_space<hbm>>) dst(%dma_wait3A_267 : memref<96xi32, #tpu.memory_space<vmem>>)
          tpu.yield
        }) : () -> ()
        %add3A_28 = arith.constant 250560 : i32
        %add3A_29 = arith.addi %add3A_28, %multiple_of3A : i32
        %run_scoped3A_30 = arith.constant 5 : i32
        "tpu.region"() ({
          %run_scoped3A_252 = tpu.sem_alloc : memref<!tpu.dma_semaphore, #tpu.memory_space<semaphore_mem>>
          %dma_start3A_253 = arith.constant 0 : i32
          %dma_start3A_254 = tpu.memref_slice %arg6[%run_scoped3A_30, %dma_start3A_253] : memref<8x96xi32, #tpu.memory_space<vmem>> -> memref<1x96xi32, #tpu.memory_space<vmem>>
          %dma_start3A_255 = tpu.memref_squeeze %dma_start3A_254 : memref<1x96xi32, #tpu.memory_space<vmem>> -> memref<96xi32, #tpu.memory_space<vmem>>
          %dma_start3A_256 = tpu.memref_slice %arg4[%add3A_29] : memref<400896xi32, #tpu.memory_space<hbm>> -> memref<96xi32, #tpu.memory_space<hbm>>
          %dma_start3A_257 = arith.constant 0 : i32
          %dma_start3A_258 = tpu.memref_slice %arg6[%run_scoped3A_30, %dma_start3A_257] : memref<8x96xi32, #tpu.memory_space<vmem>> -> memref<1x96xi32, #tpu.memory_space<vmem>>
          %dma_start3A_259 = tpu.memref_squeeze %dma_start3A_258 : memref<1x96xi32, #tpu.memory_space<vmem>> -> memref<96xi32, #tpu.memory_space<vmem>>
          %dma_start3A_260 = tpu.memref_slice %arg4[%add3A_29] : memref<400896xi32, #tpu.memory_space<hbm>> -> memref<96xi32, #tpu.memory_space<hbm>>
          tpu.enqueue_dma source(%dma_start3A_260 : memref<96xi32, #tpu.memory_space<hbm>>) target(%dma_start3A_259 : memref<96xi32, #tpu.memory_space<vmem>>) target_semaphore(%run_scoped3A_252 : memref<!tpu.dma_semaphore, #tpu.memory_space<semaphore_mem>>)
          %dma_wait3A_261 = arith.constant 0 : i32
          %dma_wait3A_262 = tpu.memref_slice %arg6[%run_scoped3A_30, %dma_wait3A_261] : memref<8x96xi32, #tpu.memory_space<vmem>> -> memref<1x96xi32, #tpu.memory_space<vmem>>
          %dma_wait3A_263 = tpu.memref_squeeze %dma_wait3A_262 : memref<1x96xi32, #tpu.memory_space<vmem>> -> memref<96xi32, #tpu.memory_space<vmem>>
          %dma_wait3A_264 = tpu.memref_slice %arg4[%add3A_29] : memref<400896xi32, #tpu.memory_space<hbm>> -> memref<96xi32, #tpu.memory_space<hbm>>
          %dma_wait3A_265 = arith.constant 0 : i32
          %dma_wait3A_266 = tpu.memref_slice %arg6[%run_scoped3A_30, %dma_wait3A_265] : memref<8x96xi32, #tpu.memory_space<vmem>> -> memref<1x96xi32, #tpu.memory_space<vmem>>
          %dma_wait3A_267 = tpu.memref_squeeze %dma_wait3A_266 : memref<1x96xi32, #tpu.memory_space<vmem>> -> memref<96xi32, #tpu.memory_space<vmem>>
          %dma_wait3A_268 = tpu.memref_slice %arg4[%add3A_29] : memref<400896xi32, #tpu.memory_space<hbm>> -> memref<96xi32, #tpu.memory_space<hbm>>
          tpu.wait_dma2 semaphore(%run_scoped3A_252 : memref<!tpu.dma_semaphore, #tpu.memory_space<semaphore_mem>>) src(%dma_wait3A_268 : memref<96xi32, #tpu.memory_space<hbm>>) dst(%dma_wait3A_267 : memref<96xi32, #tpu.memory_space<vmem>>)
          tpu.yield
        }) : () -> ()
        %add3A_31 = arith.constant 300672 : i32
        %add3A_32 = arith.addi %add3A_31, %multiple_of3A : i32
        %run_scoped3A_33 = arith.constant 6 : i32
        "tpu.region"() ({
          %run_scoped3A_252 = tpu.sem_alloc : memref<!tpu.dma_semaphore, #tpu.memory_space<semaphore_mem>>
          %dma_start3A_253 = arith.constant 0 : i32
          %dma_start3A_254 = tpu.memref_slice %arg6[%run_scoped3A_33, %dma_start3A_253] : memref<8x96xi32, #tpu.memory_space<vmem>> -> memref<1x96xi32, #tpu.memory_space<vmem>>
          %dma_start3A_255 = tpu.memref_squeeze %dma_start3A_254 : memref<1x96xi32, #tpu.memory_space<vmem>> -> memref<96xi32, #tpu.memory_space<vmem>>
          %dma_start3A_256 = tpu.memref_slice %arg4[%add3A_32] : memref<400896xi32, #tpu.memory_space<hbm>> -> memref<96xi32, #tpu.memory_space<hbm>>
          %dma_start3A_257 = arith.constant 0 : i32
          %dma_start3A_258 = tpu.memref_slice %arg6[%run_scoped3A_33, %dma_start3A_257] : memref<8x96xi32, #tpu.memory_space<vmem>> -> memref<1x96xi32, #tpu.memory_space<vmem>>
          %dma_start3A_259 = tpu.memref_squeeze %dma_start3A_258 : memref<1x96xi32, #tpu.memory_space<vmem>> -> memref<96xi32, #tpu.memory_space<vmem>>
          %dma_start3A_260 = tpu.memref_slice %arg4[%add3A_32] : memref<400896xi32, #tpu.memory_space<hbm>> -> memref<96xi32, #tpu.memory_space<hbm>>
          tpu.enqueue_dma source(%dma_start3A_260 : memref<96xi32, #tpu.memory_space<hbm>>) target(%dma_start3A_259 : memref<96xi32, #tpu.memory_space<vmem>>) target_semaphore(%run_scoped3A_252 : memref<!tpu.dma_semaphore, #tpu.memory_space<semaphore_mem>>)
          %dma_wait3A_261 = arith.constant 0 : i32
          %dma_wait3A_262 = tpu.memref_slice %arg6[%run_scoped3A_33, %dma_wait3A_261] : memref<8x96xi32, #tpu.memory_space<vmem>> -> memref<1x96xi32, #tpu.memory_space<vmem>>
          %dma_wait3A_263 = tpu.memref_squeeze %dma_wait3A_262 : memref<1x96xi32, #tpu.memory_space<vmem>> -> memref<96xi32, #tpu.memory_space<vmem>>
          %dma_wait3A_264 = tpu.memref_slice %arg4[%add3A_32] : memref<400896xi32, #tpu.memory_space<hbm>> -> memref<96xi32, #tpu.memory_space<hbm>>
          %dma_wait3A_265 = arith.constant 0 : i32
          %dma_wait3A_266 = tpu.memref_slice %arg6[%run_scoped3A_33, %dma_wait3A_265] : memref<8x96xi32, #tpu.memory_space<vmem>> -> memref<1x96xi32, #tpu.memory_space<vmem>>
          %dma_wait3A_267 = tpu.memref_squeeze %dma_wait3A_266 : memref<1x96xi32, #tpu.memory_space<vmem>> -> memref<96xi32, #tpu.memory_space<vmem>>
          %dma_wait3A_268 = tpu.memref_slice %arg4[%add3A_32] : memref<400896xi32, #tpu.memory_space<hbm>> -> memref<96xi32, #tpu.memory_space<hbm>>
          tpu.wait_dma2 semaphore(%run_scoped3A_252 : memref<!tpu.dma_semaphore, #tpu.memory_space<semaphore_mem>>) src(%dma_wait3A_268 : memref<96xi32, #tpu.memory_space<hbm>>) dst(%dma_wait3A_267 : memref<96xi32, #tpu.memory_space<vmem>>)
          tpu.yield
        }) : () -> ()
        %add3A_34 = arith.constant 350784 : i32
        %add3A_35 = arith.addi %add3A_34, %multiple_of3A : i32
        %run_scoped3A_36 = arith.constant 7 : i32
        "tpu.region"() ({
          %run_scoped3A_252 = tpu.sem_alloc : memref<!tpu.dma_semaphore, #tpu.memory_space<semaphore_mem>>
          %dma_start3A_253 = arith.constant 0 : i32
          %dma_start3A_254 = tpu.memref_slice %arg6[%run_scoped3A_36, %dma_start3A_253] : memref<8x96xi32, #tpu.memory_space<vmem>> -> memref<1x96xi32, #tpu.memory_space<vmem>>
          %dma_start3A_255 = tpu.memref_squeeze %dma_start3A_254 : memref<1x96xi32, #tpu.memory_space<vmem>> -> memref<96xi32, #tpu.memory_space<vmem>>
          %dma_start3A_256 = tpu.memref_slice %arg4[%add3A_35] : memref<400896xi32, #tpu.memory_space<hbm>> -> memref<96xi32, #tpu.memory_space<hbm>>
          %dma_start3A_257 = arith.constant 0 : i32
          %dma_start3A_258 = tpu.memref_slice %arg6[%run_scoped3A_36, %dma_start3A_257] : memref<8x96xi32, #tpu.memory_space<vmem>> -> memref<1x96xi32, #tpu.memory_space<vmem>>
          %dma_start3A_259 = tpu.memref_squeeze %dma_start3A_258 : memref<1x96xi32, #tpu.memory_space<vmem>> -> memref<96xi32, #tpu.memory_space<vmem>>
          %dma_start3A_260 = tpu.memref_slice %arg4[%add3A_35] : memref<400896xi32, #tpu.memory_space<hbm>> -> memref<96xi32, #tpu.memory_space<hbm>>
          tpu.enqueue_dma source(%dma_start3A_260 : memref<96xi32, #tpu.memory_space<hbm>>) target(%dma_start3A_259 : memref<96xi32, #tpu.memory_space<vmem>>) target_semaphore(%run_scoped3A_252 : memref<!tpu.dma_semaphore, #tpu.memory_space<semaphore_mem>>)
          %dma_wait3A_261 = arith.constant 0 : i32
          %dma_wait3A_262 = tpu.memref_slice %arg6[%run_scoped3A_36, %dma_wait3A_261] : memref<8x96xi32, #tpu.memory_space<vmem>> -> memref<1x96xi32, #tpu.memory_space<vmem>>
          %dma_wait3A_263 = tpu.memref_squeeze %dma_wait3A_262 : memref<1x96xi32, #tpu.memory_space<vmem>> -> memref<96xi32, #tpu.memory_space<vmem>>
          %dma_wait3A_264 = tpu.memref_slice %arg4[%add3A_35] : memref<400896xi32, #tpu.memory_space<hbm>> -> memref<96xi32, #tpu.memory_space<hbm>>
          %dma_wait3A_265 = arith.constant 0 : i32
          %dma_wait3A_266 = tpu.memref_slice %arg6[%run_scoped3A_36, %dma_wait3A_265] : memref<8x96xi32, #tpu.memory_space<vmem>> -> memref<1x96xi32, #tpu.memory_space<vmem>>
          %dma_wait3A_267 = tpu.memref_squeeze %dma_wait3A_266 : memref<1x96xi32, #tpu.memory_space<vmem>> -> memref<96xi32, #tpu.memory_space<vmem>>
          %dma_wait3A_268 = tpu.memref_slice %arg4[%add3A_35] : memref<400896xi32, #tpu.memory_space<hbm>> -> memref<96xi32, #tpu.memory_space<hbm>>
          tpu.wait_dma2 semaphore(%run_scoped3A_252 : memref<!tpu.dma_semaphore, #tpu.memory_space<semaphore_mem>>) src(%dma_wait3A_268 : memref<96xi32, #tpu.memory_space<hbm>>) dst(%dma_wait3A_267 : memref<96xi32, #tpu.memory_space<vmem>>)
          tpu.yield
        }) : () -> ()
        %dma_start3A = arith.constant 0 : i32
        %dma_start3A_37 = arith.constant 0 : i32
        %dma_start3A_38 = arith.constant 0 : i32
        %dma_start3A_39 = arith.constant 0 : i32
        %dma_start3A_40 = tpu.memref_slice %arg7[%dma_start3A_37, %dma_start3A_38, %dma_start3A_39] : memref<8x96x128xf32, #tpu.memory_space<vmem>> -> memref<1x96x128xf32, #tpu.memory_space<vmem>>
        %dma_start3A_41 = tpu.memref_squeeze %dma_start3A_40 : memref<1x96x128xf32, #tpu.memory_space<vmem>> -> memref<96x128xf32, #tpu.memory_space<vmem>>
        %dma_start3A_42 = arith.constant 0 : i32
        %dma_start3A_43 = tpu.memref_slice %arg6[%dma_start3A, %dma_start3A_42] : memref<8x96xi32, #tpu.memory_space<vmem>> -> memref<1x96xi32, #tpu.memory_space<vmem>>
        %dma_start3A_44 = tpu.memref_squeeze %dma_start3A_43 : memref<1x96xi32, #tpu.memory_space<vmem>> -> memref<96xi32, #tpu.memory_space<vmem>>
        %dma_start3A_45 = arith.constant 0 : i32
        %dma_start3A_46 = arith.constant 0 : i32
        %dma_start3A_47 = tpu.memref_slice %arg2[%dma_start3A_45, %dma_start3A_46] : memref<400000x128xf32, #tpu.memory_space<hbm>> -> memref<400000x128xf32, #tpu.memory_space<hbm>>
        tpu.enqueue_indirect_dma source(%dma_start3A_47 : memref<400000x128xf32, #tpu.memory_space<hbm>>) target(%dma_start3A_41 : memref<96x128xf32, #tpu.memory_space<vmem>>) offsets(%dma_start3A_44 : memref<96xi32, #tpu.memory_space<vmem>>) semaphore(%arg9 : memref<!tpu.dma_semaphore, #tpu.memory_space<semaphore_mem>>)
        %dma_start3A_48 = arith.constant 1 : i32
        %dma_start3A_49 = arith.constant 1 : i32
        %dma_start3A_50 = arith.constant 0 : i32
        %dma_start3A_51 = arith.constant 0 : i32
        %dma_start3A_52 = tpu.memref_slice %arg7[%dma_start3A_49, %dma_start3A_50, %dma_start3A_51] : memref<8x96x128xf32, #tpu.memory_space<vmem>> -> memref<1x96x128xf32, #tpu.memory_space<vmem>>
        %dma_start3A_53 = tpu.memref_squeeze %dma_start3A_52 : memref<1x96x128xf32, #tpu.memory_space<vmem>> -> memref<96x128xf32, #tpu.memory_space<vmem>>
        %dma_start3A_54 = arith.constant 0 : i32
        %dma_start3A_55 = tpu.memref_slice %arg6[%dma_start3A_48, %dma_start3A_54] : memref<8x96xi32, #tpu.memory_space<vmem>> -> memref<1x96xi32, #tpu.memory_space<vmem>>
        %dma_start3A_56 = tpu.memref_squeeze %dma_start3A_55 : memref<1x96xi32, #tpu.memory_space<vmem>> -> memref<96xi32, #tpu.memory_space<vmem>>
        %dma_start3A_57 = arith.constant 0 : i32
        %dma_start3A_58 = arith.constant 0 : i32
        %dma_start3A_59 = tpu.memref_slice %arg2[%dma_start3A_57, %dma_start3A_58] : memref<400000x128xf32, #tpu.memory_space<hbm>> -> memref<400000x128xf32, #tpu.memory_space<hbm>>
        tpu.enqueue_indirect_dma source(%dma_start3A_59 : memref<400000x128xf32, #tpu.memory_space<hbm>>) target(%dma_start3A_53 : memref<96x128xf32, #tpu.memory_space<vmem>>) offsets(%dma_start3A_56 : memref<96xi32, #tpu.memory_space<vmem>>) semaphore(%arg9 : memref<!tpu.dma_semaphore, #tpu.memory_space<semaphore_mem>>)
        %dma_start3A_60 = arith.constant 2 : i32
        %dma_start3A_61 = arith.constant 2 : i32
        %dma_start3A_62 = arith.constant 0 : i32
        %dma_start3A_63 = arith.constant 0 : i32
        %dma_start3A_64 = tpu.memref_slice %arg7[%dma_start3A_61, %dma_start3A_62, %dma_start3A_63] : memref<8x96x128xf32, #tpu.memory_space<vmem>> -> memref<1x96x128xf32, #tpu.memory_space<vmem>>
        %dma_start3A_65 = tpu.memref_squeeze %dma_start3A_64 : memref<1x96x128xf32, #tpu.memory_space<vmem>> -> memref<96x128xf32, #tpu.memory_space<vmem>>
        %dma_start3A_66 = arith.constant 0 : i32
        %dma_start3A_67 = tpu.memref_slice %arg6[%dma_start3A_60, %dma_start3A_66] : memref<8x96xi32, #tpu.memory_space<vmem>> -> memref<1x96xi32, #tpu.memory_space<vmem>>
        %dma_start3A_68 = tpu.memref_squeeze %dma_start3A_67 : memref<1x96xi32, #tpu.memory_space<vmem>> -> memref<96xi32, #tpu.memory_space<vmem>>
        %dma_start3A_69 = arith.constant 0 : i32
        %dma_start3A_70 = arith.constant 0 : i32
        %dma_start3A_71 = tpu.memref_slice %arg2[%dma_start3A_69, %dma_start3A_70] : memref<400000x128xf32, #tpu.memory_space<hbm>> -> memref<400000x128xf32, #tpu.memory_space<hbm>>
        tpu.enqueue_indirect_dma source(%dma_start3A_71 : memref<400000x128xf32, #tpu.memory_space<hbm>>) target(%dma_start3A_65 : memref<96x128xf32, #tpu.memory_space<vmem>>) offsets(%dma_start3A_68 : memref<96xi32, #tpu.memory_space<vmem>>) semaphore(%arg9 : memref<!tpu.dma_semaphore, #tpu.memory_space<semaphore_mem>>)
        %dma_start3A_72 = arith.constant 3 : i32
        %dma_start3A_73 = arith.constant 3 : i32
        %dma_start3A_74 = arith.constant 0 : i32
        %dma_start3A_75 = arith.constant 0 : i32
        %dma_start3A_76 = tpu.memref_slice %arg7[%dma_start3A_73, %dma_start3A_74, %dma_start3A_75] : memref<8x96x128xf32, #tpu.memory_space<vmem>> -> memref<1x96x128xf32, #tpu.memory_space<vmem>>
        %dma_start3A_77 = tpu.memref_squeeze %dma_start3A_76 : memref<1x96x128xf32, #tpu.memory_space<vmem>> -> memref<96x128xf32, #tpu.memory_space<vmem>>
        %dma_start3A_78 = arith.constant 0 : i32
        %dma_start3A_79 = tpu.memref_slice %arg6[%dma_start3A_72, %dma_start3A_78] : memref<8x96xi32, #tpu.memory_space<vmem>> -> memref<1x96xi32, #tpu.memory_space<vmem>>
        %dma_start3A_80 = tpu.memref_squeeze %dma_start3A_79 : memref<1x96xi32, #tpu.memory_space<vmem>> -> memref<96xi32, #tpu.memory_space<vmem>>
        %dma_start3A_81 = arith.constant 0 : i32
        %dma_start3A_82 = arith.constant 0 : i32
        %dma_start3A_83 = tpu.memref_slice %arg2[%dma_start3A_81, %dma_start3A_82] : memref<400000x128xf32, #tpu.memory_space<hbm>> -> memref<400000x128xf32, #tpu.memory_space<hbm>>
        tpu.enqueue_indirect_dma source(%dma_start3A_83 : memref<400000x128xf32, #tpu.memory_space<hbm>>) target(%dma_start3A_77 : memref<96x128xf32, #tpu.memory_space<vmem>>) offsets(%dma_start3A_80 : memref<96xi32, #tpu.memory_space<vmem>>) semaphore(%arg9 : memref<!tpu.dma_semaphore, #tpu.memory_space<semaphore_mem>>)
        %dma_start3A_84 = arith.constant 4 : i32
        %dma_start3A_85 = arith.constant 4 : i32
        %dma_start3A_86 = arith.constant 0 : i32
        %dma_start3A_87 = arith.constant 0 : i32
        %dma_start3A_88 = tpu.memref_slice %arg7[%dma_start3A_85, %dma_start3A_86, %dma_start3A_87] : memref<8x96x128xf32, #tpu.memory_space<vmem>> -> memref<1x96x128xf32, #tpu.memory_space<vmem>>
        %dma_start3A_89 = tpu.memref_squeeze %dma_start3A_88 : memref<1x96x128xf32, #tpu.memory_space<vmem>> -> memref<96x128xf32, #tpu.memory_space<vmem>>
        %dma_start3A_90 = arith.constant 0 : i32
        %dma_start3A_91 = tpu.memref_slice %arg6[%dma_start3A_84, %dma_start3A_90] : memref<8x96xi32, #tpu.memory_space<vmem>> -> memref<1x96xi32, #tpu.memory_space<vmem>>
        %dma_start3A_92 = tpu.memref_squeeze %dma_start3A_91 : memref<1x96xi32, #tpu.memory_space<vmem>> -> memref<96xi32, #tpu.memory_space<vmem>>
        %dma_start3A_93 = arith.constant 0 : i32
        %dma_start3A_94 = arith.constant 0 : i32
        %dma_start3A_95 = tpu.memref_slice %arg2[%dma_start3A_93, %dma_start3A_94] : memref<400000x128xf32, #tpu.memory_space<hbm>> -> memref<400000x128xf32, #tpu.memory_space<hbm>>
        tpu.enqueue_indirect_dma source(%dma_start3A_95 : memref<400000x128xf32, #tpu.memory_space<hbm>>) target(%dma_start3A_89 : memref<96x128xf32, #tpu.memory_space<vmem>>) offsets(%dma_start3A_92 : memref<96xi32, #tpu.memory_space<vmem>>) semaphore(%arg9 : memref<!tpu.dma_semaphore, #tpu.memory_space<semaphore_mem>>)
        %dma_start3A_96 = arith.constant 5 : i32
        %dma_start3A_97 = arith.constant 5 : i32
        %dma_start3A_98 = arith.constant 0 : i32
        %dma_start3A_99 = arith.constant 0 : i32
        %dma_start3A_100 = tpu.memref_slice %arg7[%dma_start3A_97, %dma_start3A_98, %dma_start3A_99] : memref<8x96x128xf32, #tpu.memory_space<vmem>> -> memref<1x96x128xf32, #tpu.memory_space<vmem>>
        %dma_start3A_101 = tpu.memref_squeeze %dma_start3A_100 : memref<1x96x128xf32, #tpu.memory_space<vmem>> -> memref<96x128xf32, #tpu.memory_space<vmem>>
        %dma_start3A_102 = arith.constant 0 : i32
        %dma_start3A_103 = tpu.memref_slice %arg6[%dma_start3A_96, %dma_start3A_102] : memref<8x96xi32, #tpu.memory_space<vmem>> -> memref<1x96xi32, #tpu.memory_space<vmem>>
        %dma_start3A_104 = tpu.memref_squeeze %dma_start3A_103 : memref<1x96xi32, #tpu.memory_space<vmem>> -> memref<96xi32, #tpu.memory_space<vmem>>
        %dma_start3A_105 = arith.constant 0 : i32
        %dma_start3A_106 = arith.constant 0 : i32
        %dma_start3A_107 = tpu.memref_slice %arg2[%dma_start3A_105, %dma_start3A_106] : memref<400000x128xf32, #tpu.memory_space<hbm>> -> memref<400000x128xf32, #tpu.memory_space<hbm>>
        tpu.enqueue_indirect_dma source(%dma_start3A_107 : memref<400000x128xf32, #tpu.memory_space<hbm>>) target(%dma_start3A_101 : memref<96x128xf32, #tpu.memory_space<vmem>>) offsets(%dma_start3A_104 : memref<96xi32, #tpu.memory_space<vmem>>) semaphore(%arg9 : memref<!tpu.dma_semaphore, #tpu.memory_space<semaphore_mem>>)
        %dma_start3A_108 = arith.constant 6 : i32
        %dma_start3A_109 = arith.constant 6 : i32
        %dma_start3A_110 = arith.constant 0 : i32
        %dma_start3A_111 = arith.constant 0 : i32
        %dma_start3A_112 = tpu.memref_slice %arg7[%dma_start3A_109, %dma_start3A_110, %dma_start3A_111] : memref<8x96x128xf32, #tpu.memory_space<vmem>> -> memref<1x96x128xf32, #tpu.memory_space<vmem>>
        %dma_start3A_113 = tpu.memref_squeeze %dma_start3A_112 : memref<1x96x128xf32, #tpu.memory_space<vmem>> -> memref<96x128xf32, #tpu.memory_space<vmem>>
        %dma_start3A_114 = arith.constant 0 : i32
        %dma_start3A_115 = tpu.memref_slice %arg6[%dma_start3A_108, %dma_start3A_114] : memref<8x96xi32, #tpu.memory_space<vmem>> -> memref<1x96xi32, #tpu.memory_space<vmem>>
        %dma_start3A_116 = tpu.memref_squeeze %dma_start3A_115 : memref<1x96xi32, #tpu.memory_space<vmem>> -> memref<96xi32, #tpu.memory_space<vmem>>
        %dma_start3A_117 = arith.constant 0 : i32
        %dma_start3A_118 = arith.constant 0 : i32
        %dma_start3A_119 = tpu.memref_slice %arg2[%dma_start3A_117, %dma_start3A_118] : memref<400000x128xf32, #tpu.memory_space<hbm>> -> memref<400000x128xf32, #tpu.memory_space<hbm>>
        tpu.enqueue_indirect_dma source(%dma_start3A_119 : memref<400000x128xf32, #tpu.memory_space<hbm>>) target(%dma_start3A_113 : memref<96x128xf32, #tpu.memory_space<vmem>>) offsets(%dma_start3A_116 : memref<96xi32, #tpu.memory_space<vmem>>) semaphore(%arg9 : memref<!tpu.dma_semaphore, #tpu.memory_space<semaphore_mem>>)
        %dma_start3A_120 = arith.constant 7 : i32
        %dma_start3A_121 = arith.constant 7 : i32
        %dma_start3A_122 = arith.constant 0 : i32
        %dma_start3A_123 = arith.constant 0 : i32
        %dma_start3A_124 = tpu.memref_slice %arg7[%dma_start3A_121, %dma_start3A_122, %dma_start3A_123] : memref<8x96x128xf32, #tpu.memory_space<vmem>> -> memref<1x96x128xf32, #tpu.memory_space<vmem>>
        %dma_start3A_125 = tpu.memref_squeeze %dma_start3A_124 : memref<1x96x128xf32, #tpu.memory_space<vmem>> -> memref<96x128xf32, #tpu.memory_space<vmem>>
        %dma_start3A_126 = arith.constant 0 : i32
        %dma_start3A_127 = tpu.memref_slice %arg6[%dma_start3A_120, %dma_start3A_126] : memref<8x96xi32, #tpu.memory_space<vmem>> -> memref<1x96xi32, #tpu.memory_space<vmem>>
        %dma_start3A_128 = tpu.memref_squeeze %dma_start3A_127 : memref<1x96xi32, #tpu.memory_space<vmem>> -> memref<96xi32, #tpu.memory_space<vmem>>
        %dma_start3A_129 = arith.constant 0 : i32
        %dma_start3A_130 = arith.constant 0 : i32
        %dma_start3A_131 = tpu.memref_slice %arg2[%dma_start3A_129, %dma_start3A_130] : memref<400000x128xf32, #tpu.memory_space<hbm>> -> memref<400000x128xf32, #tpu.memory_space<hbm>>
        tpu.enqueue_indirect_dma source(%dma_start3A_131 : memref<400000x128xf32, #tpu.memory_space<hbm>>) target(%dma_start3A_125 : memref<96x128xf32, #tpu.memory_space<vmem>>) offsets(%dma_start3A_128 : memref<96xi32, #tpu.memory_space<vmem>>) semaphore(%arg9 : memref<!tpu.dma_semaphore, #tpu.memory_space<semaphore_mem>>)
        %lt3A_132 = arith.constant 520 : i32
        %lt3A_133 = arith.cmpi slt, %add3A_9, %lt3A_132 : i32
        %convert_element_type3A_134 = arith.extui %lt3A_133 : i1 to i32
        %cond3A_135 = arith.constant 0 : i32
        %cond3A_136 = arith.cmpi ne, %convert_element_type3A_134, %cond3A_135 : i32
        scf.if %cond3A_136 {
          "tpu.region"() ({
            %run_scoped3A_252 = tpu.sem_alloc : memref<!tpu.dma_semaphore, #tpu.memory_space<semaphore_mem>>
            %dma_start3A_253 = arith.constant 0 : i32
            %dma_start3A_254 = tpu.memref_slice %arg3[%multiple_of3A, %dma_start3A_253] : memref<50000x128xf32, #tpu.memory_space<hbm>> -> memref<96x128xf32, #tpu.memory_space<hbm>>
            %dma_start3A_255 = arith.constant 0 : i32
            %dma_start3A_256 = tpu.memref_slice %arg3[%multiple_of3A, %dma_start3A_255] : memref<50000x128xf32, #tpu.memory_space<hbm>> -> memref<96x128xf32, #tpu.memory_space<hbm>>
            tpu.enqueue_dma source(%dma_start3A_256 : memref<96x128xf32, #tpu.memory_space<hbm>>) target(%arg8 : memref<96x128xf32, #tpu.memory_space<vmem>>) target_semaphore(%run_scoped3A_252 : memref<!tpu.dma_semaphore, #tpu.memory_space<semaphore_mem>>)
            %dma_wait3A_257 = arith.constant 0 : i32
            %dma_wait3A_258 = tpu.memref_slice %arg3[%multiple_of3A, %dma_wait3A_257] : memref<50000x128xf32, #tpu.memory_space<hbm>> -> memref<96x128xf32, #tpu.memory_space<hbm>>
            %dma_wait3A_259 = arith.constant 0 : i32
            %dma_wait3A_260 = tpu.memref_slice %arg3[%multiple_of3A, %dma_wait3A_259] : memref<50000x128xf32, #tpu.memory_space<hbm>> -> memref<96x128xf32, #tpu.memory_space<hbm>>
            tpu.wait_dma2 semaphore(%run_scoped3A_252 : memref<!tpu.dma_semaphore, #tpu.memory_space<semaphore_mem>>) src(%dma_wait3A_260 : memref<96x128xf32, #tpu.memory_space<hbm>>) dst(%arg8 : memref<96x128xf32, #tpu.memory_space<vmem>>)
            tpu.yield
          }) : () -> ()
        } else {
        }
        %eq3A = arith.constant 520 : i32
        %eq3A_137 = arith.cmpi eq, %add3A_9, %eq3A : i32
        %convert_element_type3A_138 = arith.extui %eq3A_137 : i1 to i32
        %cond3A_139 = arith.constant 0 : i32
        %cond3A_140 = arith.cmpi ne, %convert_element_type3A_138, %cond3A_139 : i32
        scf.if %cond3A_140 {
          "tpu.region"() ({
            %run_scoped3A_252 = tpu.sem_alloc : memref<!tpu.dma_semaphore, #tpu.memory_space<semaphore_mem>>
            %dma_start3A_253 = arith.constant 0 : i32
            %dma_start3A_254 = arith.constant 0 : i32
            %dma_start3A_255 = tpu.memref_slice %arg8[%dma_start3A_253, %dma_start3A_254] : memref<96x128xf32, #tpu.memory_space<vmem>> -> memref<80x128xf32, #tpu.memory_space<vmem>>
            %dma_start3A_256 = arith.constant 0 : i32
            %dma_start3A_257 = tpu.memref_slice %arg3[%multiple_of3A, %dma_start3A_256] : memref<50000x128xf32, #tpu.memory_space<hbm>> -> memref<80x128xf32, #tpu.memory_space<hbm>>
            %dma_start3A_258 = arith.constant 0 : i32
            %dma_start3A_259 = arith.constant 0 : i32
            %dma_start3A_260 = tpu.memref_slice %arg8[%dma_start3A_258, %dma_start3A_259] : memref<96x128xf32, #tpu.memory_space<vmem>> -> memref<80x128xf32, #tpu.memory_space<vmem>>
            %dma_start3A_261 = arith.constant 0 : i32
            %dma_start3A_262 = tpu.memref_slice %arg3[%multiple_of3A, %dma_start3A_261] : memref<50000x128xf32, #tpu.memory_space<hbm>> -> memref<80x128xf32, #tpu.memory_space<hbm>>
            tpu.enqueue_dma source(%dma_start3A_262 : memref<80x128xf32, #tpu.memory_space<hbm>>) target(%dma_start3A_260 : memref<80x128xf32, #tpu.memory_space<vmem>>) target_semaphore(%run_scoped3A_252 : memref<!tpu.dma_semaphore, #tpu.memory_space<semaphore_mem>>)
            %dma_wait3A_263 = arith.constant 0 : i32
            %dma_wait3A_264 = arith.constant 0 : i32
            %dma_wait3A_265 = tpu.memref_slice %arg8[%dma_wait3A_263, %dma_wait3A_264] : memref<96x128xf32, #tpu.memory_space<vmem>> -> memref<80x128xf32, #tpu.memory_space<vmem>>
            %dma_wait3A_266 = arith.constant 0 : i32
            %dma_wait3A_267 = tpu.memref_slice %arg3[%multiple_of3A, %dma_wait3A_266] : memref<50000x128xf32, #tpu.memory_space<hbm>> -> memref<80x128xf32, #tpu.memory_space<hbm>>
            %dma_wait3A_268 = arith.constant 0 : i32
            %dma_wait3A_269 = arith.constant 0 : i32
            %dma_wait3A_270 = tpu.memref_slice %arg8[%dma_wait3A_268, %dma_wait3A_269] : memref<96x128xf32, #tpu.memory_space<vmem>> -> memref<80x128xf32, #tpu.memory_space<vmem>>
            %dma_wait3A_271 = arith.constant 0 : i32
            %dma_wait3A_272 = tpu.memref_slice %arg3[%multiple_of3A, %dma_wait3A_271] : memref<50000x128xf32, #tpu.memory_space<hbm>> -> memref<80x128xf32, #tpu.memory_space<hbm>>
            tpu.wait_dma2 semaphore(%run_scoped3A_252 : memref<!tpu.dma_semaphore, #tpu.memory_space<semaphore_mem>>) src(%dma_wait3A_272 : memref<80x128xf32, #tpu.memory_space<hbm>>) dst(%dma_wait3A_270 : memref<80x128xf32, #tpu.memory_space<vmem>>)
            tpu.yield
          }) : () -> ()
        } else {
        }
        %dma_wait3A = arith.constant 0 : i32
        %dma_wait3A_141 = arith.constant 0 : i32
        %dma_wait3A_142 = arith.constant 0 : i32
        %dma_wait3A_143 = arith.constant 0 : i32
        %dma_wait3A_144 = tpu.memref_slice %arg7[%dma_wait3A_141, %dma_wait3A_142, %dma_wait3A_143] : memref<8x96x128xf32, #tpu.memory_space<vmem>> -> memref<1x96x128xf32, #tpu.memory_space<vmem>>
        %dma_wait3A_145 = tpu.memref_squeeze %dma_wait3A_144 : memref<1x96x128xf32, #tpu.memory_space<vmem>> -> memref<96x128xf32, #tpu.memory_space<vmem>>
        %dma_wait3A_146 = arith.constant 0 : i32
        %dma_wait3A_147 = tpu.memref_slice %arg6[%dma_wait3A, %dma_wait3A_146] : memref<8x96xi32, #tpu.memory_space<vmem>> -> memref<1x96xi32, #tpu.memory_space<vmem>>
        %dma_wait3A_148 = tpu.memref_squeeze %dma_wait3A_147 : memref<1x96xi32, #tpu.memory_space<vmem>> -> memref<96xi32, #tpu.memory_space<vmem>>
        %dma_wait3A_149 = arith.constant 0 : i32
        %dma_wait3A_150 = arith.constant 0 : i32
        %dma_wait3A_151 = tpu.memref_slice %arg2[%dma_wait3A_149, %dma_wait3A_150] : memref<400000x128xf32, #tpu.memory_space<hbm>> -> memref<400000x128xf32, #tpu.memory_space<hbm>>
        tpu.wait_indirect_dma semaphore(%arg9 : memref<!tpu.dma_semaphore, #tpu.memory_space<semaphore_mem>>) src(%dma_wait3A_151 : memref<400000x128xf32, #tpu.memory_space<hbm>>) dst(%dma_wait3A_145 : memref<96x128xf32, #tpu.memory_space<vmem>>)
        %dma_wait3A_152 = arith.constant 1 : i32
        %dma_wait3A_153 = arith.constant 1 : i32
        %dma_wait3A_154 = arith.constant 0 : i32
        %dma_wait3A_155 = arith.constant 0 : i32
        %dma_wait3A_156 = tpu.memref_slice %arg7[%dma_wait3A_153, %dma_wait3A_154, %dma_wait3A_155] : memref<8x96x128xf32, #tpu.memory_space<vmem>> -> memref<1x96x128xf32, #tpu.memory_space<vmem>>
        %dma_wait3A_157 = tpu.memref_squeeze %dma_wait3A_156 : memref<1x96x128xf32, #tpu.memory_space<vmem>> -> memref<96x128xf32, #tpu.memory_space<vmem>>
        %dma_wait3A_158 = arith.constant 0 : i32
        %dma_wait3A_159 = tpu.memref_slice %arg6[%dma_wait3A_152, %dma_wait3A_158] : memref<8x96xi32, #tpu.memory_space<vmem>> -> memref<1x96xi32, #tpu.memory_space<vmem>>
        %dma_wait3A_160 = tpu.memref_squeeze %dma_wait3A_159 : memref<1x96xi32, #tpu.memory_space<vmem>> -> memref<96xi32, #tpu.memory_space<vmem>>
        %dma_wait3A_161 = arith.constant 0 : i32
        %dma_wait3A_162 = arith.constant 0 : i32
        %dma_wait3A_163 = tpu.memref_slice %arg2[%dma_wait3A_161, %dma_wait3A_162] : memref<400000x128xf32, #tpu.memory_space<hbm>> -> memref<400000x128xf32, #tpu.memory_space<hbm>>
        tpu.wait_indirect_dma semaphore(%arg9 : memref<!tpu.dma_semaphore, #tpu.memory_space<semaphore_mem>>) src(%dma_wait3A_163 : memref<400000x128xf32, #tpu.memory_space<hbm>>) dst(%dma_wait3A_157 : memref<96x128xf32, #tpu.memory_space<vmem>>)
        %dma_wait3A_164 = arith.constant 2 : i32
        %dma_wait3A_165 = arith.constant 2 : i32
        %dma_wait3A_166 = arith.constant 0 : i32
        %dma_wait3A_167 = arith.constant 0 : i32
        %dma_wait3A_168 = tpu.memref_slice %arg7[%dma_wait3A_165, %dma_wait3A_166, %dma_wait3A_167] : memref<8x96x128xf32, #tpu.memory_space<vmem>> -> memref<1x96x128xf32, #tpu.memory_space<vmem>>
        %dma_wait3A_169 = tpu.memref_squeeze %dma_wait3A_168 : memref<1x96x128xf32, #tpu.memory_space<vmem>> -> memref<96x128xf32, #tpu.memory_space<vmem>>
        %dma_wait3A_170 = arith.constant 0 : i32
        %dma_wait3A_171 = tpu.memref_slice %arg6[%dma_wait3A_164, %dma_wait3A_170] : memref<8x96xi32, #tpu.memory_space<vmem>> -> memref<1x96xi32, #tpu.memory_space<vmem>>
        %dma_wait3A_172 = tpu.memref_squeeze %dma_wait3A_171 : memref<1x96xi32, #tpu.memory_space<vmem>> -> memref<96xi32, #tpu.memory_space<vmem>>
        %dma_wait3A_173 = arith.constant 0 : i32
        %dma_wait3A_174 = arith.constant 0 : i32
        %dma_wait3A_175 = tpu.memref_slice %arg2[%dma_wait3A_173, %dma_wait3A_174] : memref<400000x128xf32, #tpu.memory_space<hbm>> -> memref<400000x128xf32, #tpu.memory_space<hbm>>
        tpu.wait_indirect_dma semaphore(%arg9 : memref<!tpu.dma_semaphore, #tpu.memory_space<semaphore_mem>>) src(%dma_wait3A_175 : memref<400000x128xf32, #tpu.memory_space<hbm>>) dst(%dma_wait3A_169 : memref<96x128xf32, #tpu.memory_space<vmem>>)
        %dma_wait3A_176 = arith.constant 3 : i32
        %dma_wait3A_177 = arith.constant 3 : i32
        %dma_wait3A_178 = arith.constant 0 : i32
        %dma_wait3A_179 = arith.constant 0 : i32
        %dma_wait3A_180 = tpu.memref_slice %arg7[%dma_wait3A_177, %dma_wait3A_178, %dma_wait3A_179] : memref<8x96x128xf32, #tpu.memory_space<vmem>> -> memref<1x96x128xf32, #tpu.memory_space<vmem>>
        %dma_wait3A_181 = tpu.memref_squeeze %dma_wait3A_180 : memref<1x96x128xf32, #tpu.memory_space<vmem>> -> memref<96x128xf32, #tpu.memory_space<vmem>>
        %dma_wait3A_182 = arith.constant 0 : i32
        %dma_wait3A_183 = tpu.memref_slice %arg6[%dma_wait3A_176, %dma_wait3A_182] : memref<8x96xi32, #tpu.memory_space<vmem>> -> memref<1x96xi32, #tpu.memory_space<vmem>>
        %dma_wait3A_184 = tpu.memref_squeeze %dma_wait3A_183 : memref<1x96xi32, #tpu.memory_space<vmem>> -> memref<96xi32, #tpu.memory_space<vmem>>
        %dma_wait3A_185 = arith.constant 0 : i32
        %dma_wait3A_186 = arith.constant 0 : i32
        %dma_wait3A_187 = tpu.memref_slice %arg2[%dma_wait3A_185, %dma_wait3A_186] : memref<400000x128xf32, #tpu.memory_space<hbm>> -> memref<400000x128xf32, #tpu.memory_space<hbm>>
        tpu.wait_indirect_dma semaphore(%arg9 : memref<!tpu.dma_semaphore, #tpu.memory_space<semaphore_mem>>) src(%dma_wait3A_187 : memref<400000x128xf32, #tpu.memory_space<hbm>>) dst(%dma_wait3A_181 : memref<96x128xf32, #tpu.memory_space<vmem>>)
        %dma_wait3A_188 = arith.constant 4 : i32
        %dma_wait3A_189 = arith.constant 4 : i32
        %dma_wait3A_190 = arith.constant 0 : i32
        %dma_wait3A_191 = arith.constant 0 : i32
        %dma_wait3A_192 = tpu.memref_slice %arg7[%dma_wait3A_189, %dma_wait3A_190, %dma_wait3A_191] : memref<8x96x128xf32, #tpu.memory_space<vmem>> -> memref<1x96x128xf32, #tpu.memory_space<vmem>>
        %dma_wait3A_193 = tpu.memref_squeeze %dma_wait3A_192 : memref<1x96x128xf32, #tpu.memory_space<vmem>> -> memref<96x128xf32, #tpu.memory_space<vmem>>
        %dma_wait3A_194 = arith.constant 0 : i32
        %dma_wait3A_195 = tpu.memref_slice %arg6[%dma_wait3A_188, %dma_wait3A_194] : memref<8x96xi32, #tpu.memory_space<vmem>> -> memref<1x96xi32, #tpu.memory_space<vmem>>
        %dma_wait3A_196 = tpu.memref_squeeze %dma_wait3A_195 : memref<1x96xi32, #tpu.memory_space<vmem>> -> memref<96xi32, #tpu.memory_space<vmem>>
        %dma_wait3A_197 = arith.constant 0 : i32
        %dma_wait3A_198 = arith.constant 0 : i32
        %dma_wait3A_199 = tpu.memref_slice %arg2[%dma_wait3A_197, %dma_wait3A_198] : memref<400000x128xf32, #tpu.memory_space<hbm>> -> memref<400000x128xf32, #tpu.memory_space<hbm>>
        tpu.wait_indirect_dma semaphore(%arg9 : memref<!tpu.dma_semaphore, #tpu.memory_space<semaphore_mem>>) src(%dma_wait3A_199 : memref<400000x128xf32, #tpu.memory_space<hbm>>) dst(%dma_wait3A_193 : memref<96x128xf32, #tpu.memory_space<vmem>>)
        %dma_wait3A_200 = arith.constant 5 : i32
        %dma_wait3A_201 = arith.constant 5 : i32
        %dma_wait3A_202 = arith.constant 0 : i32
        %dma_wait3A_203 = arith.constant 0 : i32
        %dma_wait3A_204 = tpu.memref_slice %arg7[%dma_wait3A_201, %dma_wait3A_202, %dma_wait3A_203] : memref<8x96x128xf32, #tpu.memory_space<vmem>> -> memref<1x96x128xf32, #tpu.memory_space<vmem>>
        %dma_wait3A_205 = tpu.memref_squeeze %dma_wait3A_204 : memref<1x96x128xf32, #tpu.memory_space<vmem>> -> memref<96x128xf32, #tpu.memory_space<vmem>>
        %dma_wait3A_206 = arith.constant 0 : i32
        %dma_wait3A_207 = tpu.memref_slice %arg6[%dma_wait3A_200, %dma_wait3A_206] : memref<8x96xi32, #tpu.memory_space<vmem>> -> memref<1x96xi32, #tpu.memory_space<vmem>>
        %dma_wait3A_208 = tpu.memref_squeeze %dma_wait3A_207 : memref<1x96xi32, #tpu.memory_space<vmem>> -> memref<96xi32, #tpu.memory_space<vmem>>
        %dma_wait3A_209 = arith.constant 0 : i32
        %dma_wait3A_210 = arith.constant 0 : i32
        %dma_wait3A_211 = tpu.memref_slice %arg2[%dma_wait3A_209, %dma_wait3A_210] : memref<400000x128xf32, #tpu.memory_space<hbm>> -> memref<400000x128xf32, #tpu.memory_space<hbm>>
        tpu.wait_indirect_dma semaphore(%arg9 : memref<!tpu.dma_semaphore, #tpu.memory_space<semaphore_mem>>) src(%dma_wait3A_211 : memref<400000x128xf32, #tpu.memory_space<hbm>>) dst(%dma_wait3A_205 : memref<96x128xf32, #tpu.memory_space<vmem>>)
        %dma_wait3A_212 = arith.constant 6 : i32
        %dma_wait3A_213 = arith.constant 6 : i32
        %dma_wait3A_214 = arith.constant 0 : i32
        %dma_wait3A_215 = arith.constant 0 : i32
        %dma_wait3A_216 = tpu.memref_slice %arg7[%dma_wait3A_213, %dma_wait3A_214, %dma_wait3A_215] : memref<8x96x128xf32, #tpu.memory_space<vmem>> -> memref<1x96x128xf32, #tpu.memory_space<vmem>>
        %dma_wait3A_217 = tpu.memref_squeeze %dma_wait3A_216 : memref<1x96x128xf32, #tpu.memory_space<vmem>> -> memref<96x128xf32, #tpu.memory_space<vmem>>
        %dma_wait3A_218 = arith.constant 0 : i32
        %dma_wait3A_219 = tpu.memref_slice %arg6[%dma_wait3A_212, %dma_wait3A_218] : memref<8x96xi32, #tpu.memory_space<vmem>> -> memref<1x96xi32, #tpu.memory_space<vmem>>
        %dma_wait3A_220 = tpu.memref_squeeze %dma_wait3A_219 : memref<1x96xi32, #tpu.memory_space<vmem>> -> memref<96xi32, #tpu.memory_space<vmem>>
        %dma_wait3A_221 = arith.constant 0 : i32
        %dma_wait3A_222 = arith.constant 0 : i32
        %dma_wait3A_223 = tpu.memref_slice %arg2[%dma_wait3A_221, %dma_wait3A_222] : memref<400000x128xf32, #tpu.memory_space<hbm>> -> memref<400000x128xf32, #tpu.memory_space<hbm>>
        tpu.wait_indirect_dma semaphore(%arg9 : memref<!tpu.dma_semaphore, #tpu.memory_space<semaphore_mem>>) src(%dma_wait3A_223 : memref<400000x128xf32, #tpu.memory_space<hbm>>) dst(%dma_wait3A_217 : memref<96x128xf32, #tpu.memory_space<vmem>>)
        %dma_wait3A_224 = arith.constant 7 : i32
        %dma_wait3A_225 = arith.constant 7 : i32
        %dma_wait3A_226 = arith.constant 0 : i32
        %dma_wait3A_227 = arith.constant 0 : i32
        %dma_wait3A_228 = tpu.memref_slice %arg7[%dma_wait3A_225, %dma_wait3A_226, %dma_wait3A_227] : memref<8x96x128xf32, #tpu.memory_space<vmem>> -> memref<1x96x128xf32, #tpu.memory_space<vmem>>
        %dma_wait3A_229 = tpu.memref_squeeze %dma_wait3A_228 : memref<1x96x128xf32, #tpu.memory_space<vmem>> -> memref<96x128xf32, #tpu.memory_space<vmem>>
        %dma_wait3A_230 = arith.constant 0 : i32
        %dma_wait3A_231 = tpu.memref_slice %arg6[%dma_wait3A_224, %dma_wait3A_230] : memref<8x96xi32, #tpu.memory_space<vmem>> -> memref<1x96xi32, #tpu.memory_space<vmem>>
        %dma_wait3A_232 = tpu.memref_squeeze %dma_wait3A_231 : memref<1x96xi32, #tpu.memory_space<vmem>> -> memref<96xi32, #tpu.memory_space<vmem>>
        %dma_wait3A_233 = arith.constant 0 : i32
        %dma_wait3A_234 = arith.constant 0 : i32
        %dma_wait3A_235 = tpu.memref_slice %arg2[%dma_wait3A_233, %dma_wait3A_234] : memref<400000x128xf32, #tpu.memory_space<hbm>> -> memref<400000x128xf32, #tpu.memory_space<hbm>>
        tpu.wait_indirect_dma semaphore(%arg9 : memref<!tpu.dma_semaphore, #tpu.memory_space<semaphore_mem>>) src(%dma_wait3A_235 : memref<400000x128xf32, #tpu.memory_space<hbm>>) dst(%dma_wait3A_229 : memref<96x128xf32, #tpu.memory_space<vmem>>)
        %scan3A_236 = arith.constant 0 : i32
        %scan3A_237 = arith.constant 0 : i32
        %scan3A_238 = arith.constant 96 : i32
        %scan3A_239 = arith.addi %scan3A_237, %scan3A_238 : i32
        %scan3A_240 = arith.constant 1 : i32
        scf.for %scan3A_252 = %scan3A_237 to %scan3A_239 step %scan3A_240  : i32 {
          %get3A = arith.index_cast %scan3A_252 : i32 to index
          %get3A_253 = arith.constant 0 : index
          %get3A_254 = tpu.vector_load %arg8[%get3A, %get3A_253] {strides = array<i32>} : memref<96x128xf32, #tpu.memory_space<vmem>>, vector<1x16xf32>,
          %get3A_255 = vector.shape_cast %get3A_254 : vector<1x16xf32> to vector<16xf32>
          %get3A_256 = arith.constant 0 : i32
          %get3A_257 = arith.index_cast %get3A_256 : i32 to index
          %get3A_258 = arith.index_cast %scan3A_252 : i32 to index
          %get3A_259 = arith.constant 0 : index
          %get3A_260 = tpu.vector_load %arg7[%get3A_257, %get3A_258, %get3A_259] {strides = array<i32>} : memref<8x96x128xf32, #tpu.memory_space<vmem>>, vector<1x1x16xf32>,
          %get3A_261 = vector.shape_cast %get3A_260 : vector<1x1x16xf32> to vector<16xf32>
          %add3A_262 = arith.addf %get3A_255, %get3A_261 : vector<16xf32>
          %get3A_263 = arith.constant 1 : i32
          %get3A_264 = arith.index_cast %get3A_263 : i32 to index
          %get3A_265 = arith.index_cast %scan3A_252 : i32 to index
          %get3A_266 = arith.constant 0 : index
          %get3A_267 = tpu.vector_load %arg7[%get3A_264, %get3A_265, %get3A_266] {strides = array<i32>} : memref<8x96x128xf32, #tpu.memory_space<vmem>>, vector<1x1x16xf32>,
          %get3A_268 = vector.shape_cast %get3A_267 : vector<1x1x16xf32> to vector<16xf32>
          %add3A_269 = arith.addf %add3A_262, %get3A_268 : vector<16xf32>
          %get3A_270 = arith.constant 2 : i32
          %get3A_271 = arith.index_cast %get3A_270 : i32 to index
          %get3A_272 = arith.index_cast %scan3A_252 : i32 to index
          %get3A_273 = arith.constant 0 : index
          %get3A_274 = tpu.vector_load %arg7[%get3A_271, %get3A_272, %get3A_273] {strides = array<i32>} : memref<8x96x128xf32, #tpu.memory_space<vmem>>, vector<1x1x16xf32>,
          %get3A_275 = vector.shape_cast %get3A_274 : vector<1x1x16xf32> to vector<16xf32>
          %add3A_276 = arith.addf %add3A_269, %get3A_275 : vector<16xf32>
          %get3A_277 = arith.constant 3 : i32
          %get3A_278 = arith.index_cast %get3A_277 : i32 to index
          %get3A_279 = arith.index_cast %scan3A_252 : i32 to index
          %get3A_280 = arith.constant 0 : index
          %get3A_281 = tpu.vector_load %arg7[%get3A_278, %get3A_279, %get3A_280] {strides = array<i32>} : memref<8x96x128xf32, #tpu.memory_space<vmem>>, vector<1x1x16xf32>,
          %get3A_282 = vector.shape_cast %get3A_281 : vector<1x1x16xf32> to vector<16xf32>
          %add3A_283 = arith.addf %add3A_276, %get3A_282 : vector<16xf32>
          %get3A_284 = arith.constant 4 : i32
          %get3A_285 = arith.index_cast %get3A_284 : i32 to index
          %get3A_286 = arith.index_cast %scan3A_252 : i32 to index
          %get3A_287 = arith.constant 0 : index
          %get3A_288 = tpu.vector_load %arg7[%get3A_285, %get3A_286, %get3A_287] {strides = array<i32>} : memref<8x96x128xf32, #tpu.memory_space<vmem>>, vector<1x1x16xf32>,
          %get3A_289 = vector.shape_cast %get3A_288 : vector<1x1x16xf32> to vector<16xf32>
          %add3A_290 = arith.addf %add3A_283, %get3A_289 : vector<16xf32>
          %get3A_291 = arith.constant 5 : i32
          %get3A_292 = arith.index_cast %get3A_291 : i32 to index
          %get3A_293 = arith.index_cast %scan3A_252 : i32 to index
          %get3A_294 = arith.constant 0 : index
          %get3A_295 = tpu.vector_load %arg7[%get3A_292, %get3A_293, %get3A_294] {strides = array<i32>} : memref<8x96x128xf32, #tpu.memory_space<vmem>>, vector<1x1x16xf32>,
          %get3A_296 = vector.shape_cast %get3A_295 : vector<1x1x16xf32> to vector<16xf32>
          %add3A_297 = arith.addf %add3A_290, %get3A_296 : vector<16xf32>
          %get3A_298 = arith.constant 6 : i32
          %get3A_299 = arith.index_cast %get3A_298 : i32 to index
          %get3A_300 = arith.index_cast %scan3A_252 : i32 to index
          %get3A_301 = arith.constant 0 : index
          %get3A_302 = tpu.vector_load %arg7[%get3A_299, %get3A_300, %get3A_301] {strides = array<i32>} : memref<8x96x128xf32, #tpu.memory_space<vmem>>, vector<1x1x16xf32>,
          %get3A_303 = vector.shape_cast %get3A_302 : vector<1x1x16xf32> to vector<16xf32>
          %add3A_304 = arith.addf %add3A_297, %get3A_303 : vector<16xf32>
          %get3A_305 = arith.constant 7 : i32
          %get3A_306 = arith.index_cast %get3A_305 : i32 to index
          %get3A_307 = arith.index_cast %scan3A_252 : i32 to index
          %get3A_308 = arith.constant 0 : index
          %get3A_309 = tpu.vector_load %arg7[%get3A_306, %get3A_307, %get3A_308] {strides = array<i32>} : memref<8x96x128xf32, #tpu.memory_space<vmem>>, vector<1x1x16xf32>,
          %get3A_310 = vector.shape_cast %get3A_309 : vector<1x1x16xf32> to vector<16xf32>
          %add3A_311 = arith.addf %add3A_304, %get3A_310 : vector<16xf32>
          %max3A = arith.constant 0.000000e+00 : f32
          %max3A_312 = vector.broadcast %max3A : f32 to vector<16xf32>
          %max3A_313 = arith.maximumf %add3A_311, %max3A_312 : vector<16xf32>
          %swap3A = arith.index_cast %scan3A_252 : i32 to index
          %swap3A_314 = arith.constant 0 : index
          %swap3A_315 = tpu.vector_load %arg8[%swap3A, %swap3A_314] {strides = array<i32>} : memref<96x128xf32, #tpu.memory_space<vmem>>, vector<1x16xf32>,
          %swap3A_316 = vector.shape_cast %swap3A_315 : vector<1x16xf32> to vector<16xf32>
          %swap3A_317 = vector.shape_cast %max3A_313 : vector<16xf32> to vector<1x16xf32>
          tpu.vector_store %arg8[%swap3A, %swap3A_314], %swap3A_317 {strides = array<i32>} : memref<96x128xf32, #tpu.memory_space<vmem>>, vector<1x16xf32>,
          %get3A_318 = arith.index_cast %scan3A_252 : i32 to index
          %get3A_319 = arith.constant 16 : index
          %get3A_320 = tpu.vector_load %arg8[%get3A_318, %get3A_319] {strides = array<i32>} : memref<96x128xf32, #tpu.memory_space<vmem>>, vector<1x16xf32>,
          %get3A_321 = vector.shape_cast %get3A_320 : vector<1x16xf32> to vector<16xf32>
          %get3A_322 = arith.constant 0 : i32
          %get3A_323 = arith.index_cast %get3A_322 : i32 to index
          %get3A_324 = arith.index_cast %scan3A_252 : i32 to index
          %get3A_325 = arith.constant 16 : index
          %get3A_326 = tpu.vector_load %arg7[%get3A_323, %get3A_324, %get3A_325] {strides = array<i32>} : memref<8x96x128xf32, #tpu.memory_space<vmem>>, vector<1x1x16xf32>,
          %get3A_327 = vector.shape_cast %get3A_326 : vector<1x1x16xf32> to vector<16xf32>
          %add3A_328 = arith.addf %get3A_321, %get3A_327 : vector<16xf32>
          %get3A_329 = arith.constant 1 : i32
          %get3A_330 = arith.index_cast %get3A_329 : i32 to index
          %get3A_331 = arith.index_cast %scan3A_252 : i32 to index
          %get3A_332 = arith.constant 16 : index
          %get3A_333 = tpu.vector_load %arg7[%get3A_330, %get3A_331, %get3A_332] {strides = array<i32>} : memref<8x96x128xf32, #tpu.memory_space<vmem>>, vector<1x1x16xf32>,
          %get3A_334 = vector.shape_cast %get3A_333 : vector<1x1x16xf32> to vector<16xf32>
          %add3A_335 = arith.addf %add3A_328, %get3A_334 : vector<16xf32>
          %get3A_336 = arith.constant 2 : i32
          %get3A_337 = arith.index_cast %get3A_336 : i32 to index
          %get3A_338 = arith.index_cast %scan3A_252 : i32 to index
          %get3A_339 = arith.constant 16 : index
          %get3A_340 = tpu.vector_load %arg7[%get3A_337, %get3A_338, %get3A_339] {strides = array<i32>} : memref<8x96x128xf32, #tpu.memory_space<vmem>>, vector<1x1x16xf32>,
          %get3A_341 = vector.shape_cast %get3A_340 : vector<1x1x16xf32> to vector<16xf32>
          %add3A_342 = arith.addf %add3A_335, %get3A_341 : vector<16xf32>
          %get3A_343 = arith.constant 3 : i32
          %get3A_344 = arith.index_cast %get3A_343 : i32 to index
          %get3A_345 = arith.index_cast %scan3A_252 : i32 to index
          %get3A_346 = arith.constant 16 : index
          %get3A_347 = tpu.vector_load %arg7[%get3A_344, %get3A_345, %get3A_346] {strides = array<i32>} : memref<8x96x128xf32, #tpu.memory_space<vmem>>, vector<1x1x16xf32>,
          %get3A_348 = vector.shape_cast %get3A_347 : vector<1x1x16xf32> to vector<16xf32>
          %add3A_349 = arith.addf %add3A_342, %get3A_348 : vector<16xf32>
          %get3A_350 = arith.constant 4 : i32
          %get3A_351 = arith.index_cast %get3A_350 : i32 to index
          %get3A_352 = arith.index_cast %scan3A_252 : i32 to index
          %get3A_353 = arith.constant 16 : index
          %get3A_354 = tpu.vector_load %arg7[%get3A_351, %get3A_352, %get3A_353] {strides = array<i32>} : memref<8x96x128xf32, #tpu.memory_space<vmem>>, vector<1x1x16xf32>,
          %get3A_355 = vector.shape_cast %get3A_354 : vector<1x1x16xf32> to vector<16xf32>
          %add3A_356 = arith.addf %add3A_349, %get3A_355 : vector<16xf32>
          %get3A_357 = arith.constant 5 : i32
          %get3A_358 = arith.index_cast %get3A_357 : i32 to index
          %get3A_359 = arith.index_cast %scan3A_252 : i32 to index
          %get3A_360 = arith.constant 16 : index
          %get3A_361 = tpu.vector_load %arg7[%get3A_358, %get3A_359, %get3A_360] {strides = array<i32>} : memref<8x96x128xf32, #tpu.memory_space<vmem>>, vector<1x1x16xf32>,
          %get3A_362 = vector.shape_cast %get3A_361 : vector<1x1x16xf32> to vector<16xf32>
          %add3A_363 = arith.addf %add3A_356, %get3A_362 : vector<16xf32>
          %get3A_364 = arith.constant 6 : i32
          %get3A_365 = arith.index_cast %get3A_364 : i32 to index
          %get3A_366 = arith.index_cast %scan3A_252 : i32 to index
          %get3A_367 = arith.constant 16 : index
          %get3A_368 = tpu.vector_load %arg7[%get3A_365, %get3A_366, %get3A_367] {strides = array<i32>} : memref<8x96x128xf32, #tpu.memory_space<vmem>>, vector<1x1x16xf32>,
          %get3A_369 = vector.shape_cast %get3A_368 : vector<1x1x16xf32> to vector<16xf32>
          %add3A_370 = arith.addf %add3A_363, %get3A_369 : vector<16xf32>
          %get3A_371 = arith.constant 7 : i32
          %get3A_372 = arith.index_cast %get3A_371 : i32 to index
          %get3A_373 = arith.index_cast %scan3A_252 : i32 to index
          %get3A_374 = arith.constant 16 : index
          %get3A_375 = tpu.vector_load %arg7[%get3A_372, %get3A_373, %get3A_374] {strides = array<i32>} : memref<8x96x128xf32, #tpu.memory_space<vmem>>, vector<1x1x16xf32>,
          %get3A_376 = vector.shape_cast %get3A_375 : vector<1x1x16xf32> to vector<16xf32>
          %add3A_377 = arith.addf %add3A_370, %get3A_376 : vector<16xf32>
          %max3A_378 = arith.constant 0.000000e+00 : f32
          %max3A_379 = vector.broadcast %max3A_378 : f32 to vector<16xf32>
          %max3A_380 = arith.maximumf %add3A_377, %max3A_379 : vector<16xf32>
          %swap3A_381 = arith.index_cast %scan3A_252 : i32 to index
          %swap3A_382 = arith.constant 16 : index
          %swap3A_383 = tpu.vector_load %arg8[%swap3A_381, %swap3A_382] {strides = array<i32>} : memref<96x128xf32, #tpu.memory_space<vmem>>, vector<1x16xf32>,
          %swap3A_384 = vector.shape_cast %swap3A_383 : vector<1x16xf32> to vector<16xf32>
          %swap3A_385 = vector.shape_cast %max3A_380 : vector<16xf32> to vector<1x16xf32>
          tpu.vector_store %arg8[%swap3A_381, %swap3A_382], %swap3A_385 {strides = array<i32>} : memref<96x128xf32, #tpu.memory_space<vmem>>, vector<1x16xf32>,
          %get3A_386 = arith.index_cast %scan3A_252 : i32 to index
          %get3A_387 = arith.constant 32 : index
          %get3A_388 = tpu.vector_load %arg8[%get3A_386, %get3A_387] {strides = array<i32>} : memref<96x128xf32, #tpu.memory_space<vmem>>, vector<1x16xf32>,
          %get3A_389 = vector.shape_cast %get3A_388 : vector<1x16xf32> to vector<16xf32>
          %get3A_390 = arith.constant 0 : i32
          %get3A_391 = arith.index_cast %get3A_390 : i32 to index
          %get3A_392 = arith.index_cast %scan3A_252 : i32 to index
          %get3A_393 = arith.constant 32 : index
          %get3A_394 = tpu.vector_load %arg7[%get3A_391, %get3A_392, %get3A_393] {strides = array<i32>} : memref<8x96x128xf32, #tpu.memory_space<vmem>>, vector<1x1x16xf32>,
          %get3A_395 = vector.shape_cast %get3A_394 : vector<1x1x16xf32> to vector<16xf32>
          %add3A_396 = arith.addf %get3A_389, %get3A_395 : vector<16xf32>
          %get3A_397 = arith.constant 1 : i32
          %get3A_398 = arith.index_cast %get3A_397 : i32 to index
          %get3A_399 = arith.index_cast %scan3A_252 : i32 to index
          %get3A_400 = arith.constant 32 : index
          %get3A_401 = tpu.vector_load %arg7[%get3A_398, %get3A_399, %get3A_400] {strides = array<i32>} : memref<8x96x128xf32, #tpu.memory_space<vmem>>, vector<1x1x16xf32>,
          %get3A_402 = vector.shape_cast %get3A_401 : vector<1x1x16xf32> to vector<16xf32>
          %add3A_403 = arith.addf %add3A_396, %get3A_402 : vector<16xf32>
          %get3A_404 = arith.constant 2 : i32
          %get3A_405 = arith.index_cast %get3A_404 : i32 to index
          %get3A_406 = arith.index_cast %scan3A_252 : i32 to index
          %get3A_407 = arith.constant 32 : index
          %get3A_408 = tpu.vector_load %arg7[%get3A_405, %get3A_406, %get3A_407] {strides = array<i32>} : memref<8x96x128xf32, #tpu.memory_space<vmem>>, vector<1x1x16xf32>,
          %get3A_409 = vector.shape_cast %get3A_408 : vector<1x1x16xf32> to vector<16xf32>
          %add3A_410 = arith.addf %add3A_403, %get3A_409 : vector<16xf32>
          %get3A_411 = arith.constant 3 : i32
          %get3A_412 = arith.index_cast %get3A_411 : i32 to index
          %get3A_413 = arith.index_cast %scan3A_252 : i32 to index
          %get3A_414 = arith.constant 32 : index
          %get3A_415 = tpu.vector_load %arg7[%get3A_412, %get3A_413, %get3A_414] {strides = array<i32>} : memref<8x96x128xf32, #tpu.memory_space<vmem>>, vector<1x1x16xf32>,
          %get3A_416 = vector.shape_cast %get3A_415 : vector<1x1x16xf32> to vector<16xf32>
          %add3A_417 = arith.addf %add3A_410, %get3A_416 : vector<16xf32>
          %get3A_418 = arith.constant 4 : i32
          %get3A_419 = arith.index_cast %get3A_418 : i32 to index
          %get3A_420 = arith.index_cast %scan3A_252 : i32 to index
          %get3A_421 = arith.constant 32 : index
          %get3A_422 = tpu.vector_load %arg7[%get3A_419, %get3A_420, %get3A_421] {strides = array<i32>} : memref<8x96x128xf32, #tpu.memory_space<vmem>>, vector<1x1x16xf32>,
          %get3A_423 = vector.shape_cast %get3A_422 : vector<1x1x16xf32> to vector<16xf32>
          %add3A_424 = arith.addf %add3A_417, %get3A_423 : vector<16xf32>
          %get3A_425 = arith.constant 5 : i32
          %get3A_426 = arith.index_cast %get3A_425 : i32 to index
          %get3A_427 = arith.index_cast %scan3A_252 : i32 to index
          %get3A_428 = arith.constant 32 : index
          %get3A_429 = tpu.vector_load %arg7[%get3A_426, %get3A_427, %get3A_428] {strides = array<i32>} : memref<8x96x128xf32, #tpu.memory_space<vmem>>, vector<1x1x16xf32>,
          %get3A_430 = vector.shape_cast %get3A_429 : vector<1x1x16xf32> to vector<16xf32>
          %add3A_431 = arith.addf %add3A_424, %get3A_430 : vector<16xf32>
          %get3A_432 = arith.constant 6 : i32
          %get3A_433 = arith.index_cast %get3A_432 : i32 to index
          %get3A_434 = arith.index_cast %scan3A_252 : i32 to index
          %get3A_435 = arith.constant 32 : index
          %get3A_436 = tpu.vector_load %arg7[%get3A_433, %get3A_434, %get3A_435] {strides = array<i32>} : memref<8x96x128xf32, #tpu.memory_space<vmem>>, vector<1x1x16xf32>,
          %get3A_437 = vector.shape_cast %get3A_436 : vector<1x1x16xf32> to vector<16xf32>
          %add3A_438 = arith.addf %add3A_431, %get3A_437 : vector<16xf32>
          %get3A_439 = arith.constant 7 : i32
          %get3A_440 = arith.index_cast %get3A_439 : i32 to index
          %get3A_441 = arith.index_cast %scan3A_252 : i32 to index
          %get3A_442 = arith.constant 32 : index
          %get3A_443 = tpu.vector_load %arg7[%get3A_440, %get3A_441, %get3A_442] {strides = array<i32>} : memref<8x96x128xf32, #tpu.memory_space<vmem>>, vector<1x1x16xf32>,
          %get3A_444 = vector.shape_cast %get3A_443 : vector<1x1x16xf32> to vector<16xf32>
          %add3A_445 = arith.addf %add3A_438, %get3A_444 : vector<16xf32>
          %max3A_446 = arith.constant 0.000000e+00 : f32
          %max3A_447 = vector.broadcast %max3A_446 : f32 to vector<16xf32>
          %max3A_448 = arith.maximumf %add3A_445, %max3A_447 : vector<16xf32>
          %swap3A_449 = arith.index_cast %scan3A_252 : i32 to index
          %swap3A_450 = arith.constant 32 : index
          %swap3A_451 = tpu.vector_load %arg8[%swap3A_449, %swap3A_450] {strides = array<i32>} : memref<96x128xf32, #tpu.memory_space<vmem>>, vector<1x16xf32>,
          %swap3A_452 = vector.shape_cast %swap3A_451 : vector<1x16xf32> to vector<16xf32>
          %swap3A_453 = vector.shape_cast %max3A_448 : vector<16xf32> to vector<1x16xf32>
          tpu.vector_store %arg8[%swap3A_449, %swap3A_450], %swap3A_453 {strides = array<i32>} : memref<96x128xf32, #tpu.memory_space<vmem>>, vector<1x16xf32>,
          %get3A_454 = arith.index_cast %scan3A_252 : i32 to index
          %get3A_455 = arith.constant 48 : index
          %get3A_456 = tpu.vector_load %arg8[%get3A_454, %get3A_455] {strides = array<i32>} : memref<96x128xf32, #tpu.memory_space<vmem>>, vector<1x16xf32>,
          %get3A_457 = vector.shape_cast %get3A_456 : vector<1x16xf32> to vector<16xf32>
          %get3A_458 = arith.constant 0 : i32
          %get3A_459 = arith.index_cast %get3A_458 : i32 to index
          %get3A_460 = arith.index_cast %scan3A_252 : i32 to index
          %get3A_461 = arith.constant 48 : index
          %get3A_462 = tpu.vector_load %arg7[%get3A_459, %get3A_460, %get3A_461] {strides = array<i32>} : memref<8x96x128xf32, #tpu.memory_space<vmem>>, vector<1x1x16xf32>,
          %get3A_463 = vector.shape_cast %get3A_462 : vector<1x1x16xf32> to vector<16xf32>
          %add3A_464 = arith.addf %get3A_457, %get3A_463 : vector<16xf32>
          %get3A_465 = arith.constant 1 : i32
          %get3A_466 = arith.index_cast %get3A_465 : i32 to index
          %get3A_467 = arith.index_cast %scan3A_252 : i32 to index
          %get3A_468 = arith.constant 48 : index
          %get3A_469 = tpu.vector_load %arg7[%get3A_466, %get3A_467, %get3A_468] {strides = array<i32>} : memref<8x96x128xf32, #tpu.memory_space<vmem>>, vector<1x1x16xf32>,
          %get3A_470 = vector.shape_cast %get3A_469 : vector<1x1x16xf32> to vector<16xf32>
          %add3A_471 = arith.addf %add3A_464, %get3A_470 : vector<16xf32>
          %get3A_472 = arith.constant 2 : i32
          %get3A_473 = arith.index_cast %get3A_472 : i32 to index
          %get3A_474 = arith.index_cast %scan3A_252 : i32 to index
          %get3A_475 = arith.constant 48 : index
          %get3A_476 = tpu.vector_load %arg7[%get3A_473, %get3A_474, %get3A_475] {strides = array<i32>} : memref<8x96x128xf32, #tpu.memory_space<vmem>>, vector<1x1x16xf32>,
          %get3A_477 = vector.shape_cast %get3A_476 : vector<1x1x16xf32> to vector<16xf32>
          %add3A_478 = arith.addf %add3A_471, %get3A_477 : vector<16xf32>
          %get3A_479 = arith.constant 3 : i32
          %get3A_480 = arith.index_cast %get3A_479 : i32 to index
          %get3A_481 = arith.index_cast %scan3A_252 : i32 to index
          %get3A_482 = arith.constant 48 : index
          %get3A_483 = tpu.vector_load %arg7[%get3A_480, %get3A_481, %get3A_482] {strides = array<i32>} : memref<8x96x128xf32, #tpu.memory_space<vmem>>, vector<1x1x16xf32>,
          %get3A_484 = vector.shape_cast %get3A_483 : vector<1x1x16xf32> to vector<16xf32>
          %add3A_485 = arith.addf %add3A_478, %get3A_484 : vector<16xf32>
          %get3A_486 = arith.constant 4 : i32
          %get3A_487 = arith.index_cast %get3A_486 : i32 to index
          %get3A_488 = arith.index_cast %scan3A_252 : i32 to index
          %get3A_489 = arith.constant 48 : index
          %get3A_490 = tpu.vector_load %arg7[%get3A_487, %get3A_488, %get3A_489] {strides = array<i32>} : memref<8x96x128xf32, #tpu.memory_space<vmem>>, vector<1x1x16xf32>,
          %get3A_491 = vector.shape_cast %get3A_490 : vector<1x1x16xf32> to vector<16xf32>
          %add3A_492 = arith.addf %add3A_485, %get3A_491 : vector<16xf32>
          %get3A_493 = arith.constant 5 : i32
          %get3A_494 = arith.index_cast %get3A_493 : i32 to index
          %get3A_495 = arith.index_cast %scan3A_252 : i32 to index
          %get3A_496 = arith.constant 48 : index
          %get3A_497 = tpu.vector_load %arg7[%get3A_494, %get3A_495, %get3A_496] {strides = array<i32>} : memref<8x96x128xf32, #tpu.memory_space<vmem>>, vector<1x1x16xf32>,
          %get3A_498 = vector.shape_cast %get3A_497 : vector<1x1x16xf32> to vector<16xf32>
          %add3A_499 = arith.addf %add3A_492, %get3A_498 : vector<16xf32>
          %get3A_500 = arith.constant 6 : i32
          %get3A_501 = arith.index_cast %get3A_500 : i32 to index
          %get3A_502 = arith.index_cast %scan3A_252 : i32 to index
          %get3A_503 = arith.constant 48 : index
          %get3A_504 = tpu.vector_load %arg7[%get3A_501, %get3A_502, %get3A_503] {strides = array<i32>} : memref<8x96x128xf32, #tpu.memory_space<vmem>>, vector<1x1x16xf32>,
          %get3A_505 = vector.shape_cast %get3A_504 : vector<1x1x16xf32> to vector<16xf32>
          %add3A_506 = arith.addf %add3A_499, %get3A_505 : vector<16xf32>
          %get3A_507 = arith.constant 7 : i32
          %get3A_508 = arith.index_cast %get3A_507 : i32 to index
          %get3A_509 = arith.index_cast %scan3A_252 : i32 to index
          %get3A_510 = arith.constant 48 : index
          %get3A_511 = tpu.vector_load %arg7[%get3A_508, %get3A_509, %get3A_510] {strides = array<i32>} : memref<8x96x128xf32, #tpu.memory_space<vmem>>, vector<1x1x16xf32>,
          %get3A_512 = vector.shape_cast %get3A_511 : vector<1x1x16xf32> to vector<16xf32>
          %add3A_513 = arith.addf %add3A_506, %get3A_512 : vector<16xf32>
          %max3A_514 = arith.constant 0.000000e+00 : f32
          %max3A_515 = vector.broadcast %max3A_514 : f32 to vector<16xf32>
          %max3A_516 = arith.maximumf %add3A_513, %max3A_515 : vector<16xf32>
          %swap3A_517 = arith.index_cast %scan3A_252 : i32 to index
          %swap3A_518 = arith.constant 48 : index
          %swap3A_519 = tpu.vector_load %arg8[%swap3A_517, %swap3A_518] {strides = array<i32>} : memref<96x128xf32, #tpu.memory_space<vmem>>, vector<1x16xf32>,
          %swap3A_520 = vector.shape_cast %swap3A_519 : vector<1x16xf32> to vector<16xf32>
          %swap3A_521 = vector.shape_cast %max3A_516 : vector<16xf32> to vector<1x16xf32>
          tpu.vector_store %arg8[%swap3A_517, %swap3A_518], %swap3A_521 {strides = array<i32>} : memref<96x128xf32, #tpu.memory_space<vmem>>, vector<1x16xf32>,
          %get3A_522 = arith.index_cast %scan3A_252 : i32 to index
          %get3A_523 = arith.constant 64 : index
          %get3A_524 = tpu.vector_load %arg8[%get3A_522, %get3A_523] {strides = array<i32>} : memref<96x128xf32, #tpu.memory_space<vmem>>, vector<1x16xf32>,
          %get3A_525 = vector.shape_cast %get3A_524 : vector<1x16xf32> to vector<16xf32>
          %get3A_526 = arith.constant 0 : i32
          %get3A_527 = arith.index_cast %get3A_526 : i32 to index
          %get3A_528 = arith.index_cast %scan3A_252 : i32 to index
          %get3A_529 = arith.constant 64 : index
          %get3A_530 = tpu.vector_load %arg7[%get3A_527, %get3A_528, %get3A_529] {strides = array<i32>} : memref<8x96x128xf32, #tpu.memory_space<vmem>>, vector<1x1x16xf32>,
          %get3A_531 = vector.shape_cast %get3A_530 : vector<1x1x16xf32> to vector<16xf32>
          %add3A_532 = arith.addf %get3A_525, %get3A_531 : vector<16xf32>
          %get3A_533 = arith.constant 1 : i32
          %get3A_534 = arith.index_cast %get3A_533 : i32 to index
          %get3A_535 = arith.index_cast %scan3A_252 : i32 to index
          %get3A_536 = arith.constant 64 : index
          %get3A_537 = tpu.vector_load %arg7[%get3A_534, %get3A_535, %get3A_536] {strides = array<i32>} : memref<8x96x128xf32, #tpu.memory_space<vmem>>, vector<1x1x16xf32>,
          %get3A_538 = vector.shape_cast %get3A_537 : vector<1x1x16xf32> to vector<16xf32>
          %add3A_539 = arith.addf %add3A_532, %get3A_538 : vector<16xf32>
          %get3A_540 = arith.constant 2 : i32
          %get3A_541 = arith.index_cast %get3A_540 : i32 to index
          %get3A_542 = arith.index_cast %scan3A_252 : i32 to index
          %get3A_543 = arith.constant 64 : index
          %get3A_544 = tpu.vector_load %arg7[%get3A_541, %get3A_542, %get3A_543] {strides = array<i32>} : memref<8x96x128xf32, #tpu.memory_space<vmem>>, vector<1x1x16xf32>,
          %get3A_545 = vector.shape_cast %get3A_544 : vector<1x1x16xf32> to vector<16xf32>
          %add3A_546 = arith.addf %add3A_539, %get3A_545 : vector<16xf32>
          %get3A_547 = arith.constant 3 : i32
          %get3A_548 = arith.index_cast %get3A_547 : i32 to index
          %get3A_549 = arith.index_cast %scan3A_252 : i32 to index
          %get3A_550 = arith.constant 64 : index
          %get3A_551 = tpu.vector_load %arg7[%get3A_548, %get3A_549, %get3A_550] {strides = array<i32>} : memref<8x96x128xf32, #tpu.memory_space<vmem>>, vector<1x1x16xf32>,
          %get3A_552 = vector.shape_cast %get3A_551 : vector<1x1x16xf32> to vector<16xf32>
          %add3A_553 = arith.addf %add3A_546, %get3A_552 : vector<16xf32>
          %get3A_554 = arith.constant 4 : i32
          %get3A_555 = arith.index_cast %get3A_554 : i32 to index
          %get3A_556 = arith.index_cast %scan3A_252 : i32 to index
          %get3A_557 = arith.constant 64 : index
          %get3A_558 = tpu.vector_load %arg7[%get3A_555, %get3A_556, %get3A_557] {strides = array<i32>} : memref<8x96x128xf32, #tpu.memory_space<vmem>>, vector<1x1x16xf32>,
          %get3A_559 = vector.shape_cast %get3A_558 : vector<1x1x16xf32> to vector<16xf32>
          %add3A_560 = arith.addf %add3A_553, %get3A_559 : vector<16xf32>
          %get3A_561 = arith.constant 5 : i32
          %get3A_562 = arith.index_cast %get3A_561 : i32 to index
          %get3A_563 = arith.index_cast %scan3A_252 : i32 to index
          %get3A_564 = arith.constant 64 : index
          %get3A_565 = tpu.vector_load %arg7[%get3A_562, %get3A_563, %get3A_564] {strides = array<i32>} : memref<8x96x128xf32, #tpu.memory_space<vmem>>, vector<1x1x16xf32>,
          %get3A_566 = vector.shape_cast %get3A_565 : vector<1x1x16xf32> to vector<16xf32>
          %add3A_567 = arith.addf %add3A_560, %get3A_566 : vector<16xf32>
          %get3A_568 = arith.constant 6 : i32
          %get3A_569 = arith.index_cast %get3A_568 : i32 to index
          %get3A_570 = arith.index_cast %scan3A_252 : i32 to index
          %get3A_571 = arith.constant 64 : index
          %get3A_572 = tpu.vector_load %arg7[%get3A_569, %get3A_570, %get3A_571] {strides = array<i32>} : memref<8x96x128xf32, #tpu.memory_space<vmem>>, vector<1x1x16xf32>,
          %get3A_573 = vector.shape_cast %get3A_572 : vector<1x1x16xf32> to vector<16xf32>
          %add3A_574 = arith.addf %add3A_567, %get3A_573 : vector<16xf32>
          %get3A_575 = arith.constant 7 : i32
          %get3A_576 = arith.index_cast %get3A_575 : i32 to index
          %get3A_577 = arith.index_cast %scan3A_252 : i32 to index
          %get3A_578 = arith.constant 64 : index
          %get3A_579 = tpu.vector_load %arg7[%get3A_576, %get3A_577, %get3A_578] {strides = array<i32>} : memref<8x96x128xf32, #tpu.memory_space<vmem>>, vector<1x1x16xf32>,
          %get3A_580 = vector.shape_cast %get3A_579 : vector<1x1x16xf32> to vector<16xf32>
          %add3A_581 = arith.addf %add3A_574, %get3A_580 : vector<16xf32>
          %max3A_582 = arith.constant 0.000000e+00 : f32
          %max3A_583 = vector.broadcast %max3A_582 : f32 to vector<16xf32>
          %max3A_584 = arith.maximumf %add3A_581, %max3A_583 : vector<16xf32>
          %swap3A_585 = arith.index_cast %scan3A_252 : i32 to index
          %swap3A_586 = arith.constant 64 : index
          %swap3A_587 = tpu.vector_load %arg8[%swap3A_585, %swap3A_586] {strides = array<i32>} : memref<96x128xf32, #tpu.memory_space<vmem>>, vector<1x16xf32>,
          %swap3A_588 = vector.shape_cast %swap3A_587 : vector<1x16xf32> to vector<16xf32>
          %swap3A_589 = vector.shape_cast %max3A_584 : vector<16xf32> to vector<1x16xf32>
          tpu.vector_store %arg8[%swap3A_585, %swap3A_586], %swap3A_589 {strides = array<i32>} : memref<96x128xf32, #tpu.memory_space<vmem>>, vector<1x16xf32>,
          %get3A_590 = arith.index_cast %scan3A_252 : i32 to index
          %get3A_591 = arith.constant 80 : index
          %get3A_592 = tpu.vector_load %arg8[%get3A_590, %get3A_591] {strides = array<i32>} : memref<96x128xf32, #tpu.memory_space<vmem>>, vector<1x16xf32>,
          %get3A_593 = vector.shape_cast %get3A_592 : vector<1x16xf32> to vector<16xf32>
          %get3A_594 = arith.constant 0 : i32
          %get3A_595 = arith.index_cast %get3A_594 : i32 to index
          %get3A_596 = arith.index_cast %scan3A_252 : i32 to index
          %get3A_597 = arith.constant 80 : index
          %get3A_598 = tpu.vector_load %arg7[%get3A_595, %get3A_596, %get3A_597] {strides = array<i32>} : memref<8x96x128xf32, #tpu.memory_space<vmem>>, vector<1x1x16xf32>,
          %get3A_599 = vector.shape_cast %get3A_598 : vector<1x1x16xf32> to vector<16xf32>
          %add3A_600 = arith.addf %get3A_593, %get3A_599 : vector<16xf32>
          %get3A_601 = arith.constant 1 : i32
          %get3A_602 = arith.index_cast %get3A_601 : i32 to index
          %get3A_603 = arith.index_cast %scan3A_252 : i32 to index
          %get3A_604 = arith.constant 80 : index
          %get3A_605 = tpu.vector_load %arg7[%get3A_602, %get3A_603, %get3A_604] {strides = array<i32>} : memref<8x96x128xf32, #tpu.memory_space<vmem>>, vector<1x1x16xf32>,
          %get3A_606 = vector.shape_cast %get3A_605 : vector<1x1x16xf32> to vector<16xf32>
          %add3A_607 = arith.addf %add3A_600, %get3A_606 : vector<16xf32>
          %get3A_608 = arith.constant 2 : i32
          %get3A_609 = arith.index_cast %get3A_608 : i32 to index
          %get3A_610 = arith.index_cast %scan3A_252 : i32 to index
          %get3A_611 = arith.constant 80 : index
          %get3A_612 = tpu.vector_load %arg7[%get3A_609, %get3A_610, %get3A_611] {strides = array<i32>} : memref<8x96x128xf32, #tpu.memory_space<vmem>>, vector<1x1x16xf32>,
          %get3A_613 = vector.shape_cast %get3A_612 : vector<1x1x16xf32> to vector<16xf32>
          %add3A_614 = arith.addf %add3A_607, %get3A_613 : vector<16xf32>
          %get3A_615 = arith.constant 3 : i32
          %get3A_616 = arith.index_cast %get3A_615 : i32 to index
          %get3A_617 = arith.index_cast %scan3A_252 : i32 to index
          %get3A_618 = arith.constant 80 : index
          %get3A_619 = tpu.vector_load %arg7[%get3A_616, %get3A_617, %get3A_618] {strides = array<i32>} : memref<8x96x128xf32, #tpu.memory_space<vmem>>, vector<1x1x16xf32>,
          %get3A_620 = vector.shape_cast %get3A_619 : vector<1x1x16xf32> to vector<16xf32>
          %add3A_621 = arith.addf %add3A_614, %get3A_620 : vector<16xf32>
          %get3A_622 = arith.constant 4 : i32
          %get3A_623 = arith.index_cast %get3A_622 : i32 to index
          %get3A_624 = arith.index_cast %scan3A_252 : i32 to index
          %get3A_625 = arith.constant 80 : index
          %get3A_626 = tpu.vector_load %arg7[%get3A_623, %get3A_624, %get3A_625] {strides = array<i32>} : memref<8x96x128xf32, #tpu.memory_space<vmem>>, vector<1x1x16xf32>,
          %get3A_627 = vector.shape_cast %get3A_626 : vector<1x1x16xf32> to vector<16xf32>
          %add3A_628 = arith.addf %add3A_621, %get3A_627 : vector<16xf32>
          %get3A_629 = arith.constant 5 : i32
          %get3A_630 = arith.index_cast %get3A_629 : i32 to index
          %get3A_631 = arith.index_cast %scan3A_252 : i32 to index
          %get3A_632 = arith.constant 80 : index
          %get3A_633 = tpu.vector_load %arg7[%get3A_630, %get3A_631, %get3A_632] {strides = array<i32>} : memref<8x96x128xf32, #tpu.memory_space<vmem>>, vector<1x1x16xf32>,
          %get3A_634 = vector.shape_cast %get3A_633 : vector<1x1x16xf32> to vector<16xf32>
          %add3A_635 = arith.addf %add3A_628, %get3A_634 : vector<16xf32>
          %get3A_636 = arith.constant 6 : i32
          %get3A_637 = arith.index_cast %get3A_636 : i32 to index
          %get3A_638 = arith.index_cast %scan3A_252 : i32 to index
          %get3A_639 = arith.constant 80 : index
          %get3A_640 = tpu.vector_load %arg7[%get3A_637, %get3A_638, %get3A_639] {strides = array<i32>} : memref<8x96x128xf32, #tpu.memory_space<vmem>>, vector<1x1x16xf32>,
          %get3A_641 = vector.shape_cast %get3A_640 : vector<1x1x16xf32> to vector<16xf32>
          %add3A_642 = arith.addf %add3A_635, %get3A_641 : vector<16xf32>
          %get3A_643 = arith.constant 7 : i32
          %get3A_644 = arith.index_cast %get3A_643 : i32 to index
          %get3A_645 = arith.index_cast %scan3A_252 : i32 to index
          %get3A_646 = arith.constant 80 : index
          %get3A_647 = tpu.vector_load %arg7[%get3A_644, %get3A_645, %get3A_646] {strides = array<i32>} : memref<8x96x128xf32, #tpu.memory_space<vmem>>, vector<1x1x16xf32>,
          %get3A_648 = vector.shape_cast %get3A_647 : vector<1x1x16xf32> to vector<16xf32>
          %add3A_649 = arith.addf %add3A_642, %get3A_648 : vector<16xf32>
          %max3A_650 = arith.constant 0.000000e+00 : f32
          %max3A_651 = vector.broadcast %max3A_650 : f32 to vector<16xf32>
          %max3A_652 = arith.maximumf %add3A_649, %max3A_651 : vector<16xf32>
          %swap3A_653 = arith.index_cast %scan3A_252 : i32 to index
          %swap3A_654 = arith.constant 80 : index
          %swap3A_655 = tpu.vector_load %arg8[%swap3A_653, %swap3A_654] {strides = array<i32>} : memref<96x128xf32, #tpu.memory_space<vmem>>, vector<1x16xf32>,
          %swap3A_656 = vector.shape_cast %swap3A_655 : vector<1x16xf32> to vector<16xf32>
          %swap3A_657 = vector.shape_cast %max3A_652 : vector<16xf32> to vector<1x16xf32>
          tpu.vector_store %arg8[%swap3A_653, %swap3A_654], %swap3A_657 {strides = array<i32>} : memref<96x128xf32, #tpu.memory_space<vmem>>, vector<1x16xf32>,
          %get3A_658 = arith.index_cast %scan3A_252 : i32 to index
          %get3A_659 = arith.constant 96 : index
          %get3A_660 = tpu.vector_load %arg8[%get3A_658, %get3A_659] {strides = array<i32>} : memref<96x128xf32, #tpu.memory_space<vmem>>, vector<1x16xf32>,
          %get3A_661 = vector.shape_cast %get3A_660 : vector<1x16xf32> to vector<16xf32>
          %get3A_662 = arith.constant 0 : i32
          %get3A_663 = arith.index_cast %get3A_662 : i32 to index
          %get3A_664 = arith.index_cast %scan3A_252 : i32 to index
          %get3A_665 = arith.constant 96 : index
          %get3A_666 = tpu.vector_load %arg7[%get3A_663, %get3A_664, %get3A_665] {strides = array<i32>} : memref<8x96x128xf32, #tpu.memory_space<vmem>>, vector<1x1x16xf32>,
          %get3A_667 = vector.shape_cast %get3A_666 : vector<1x1x16xf32> to vector<16xf32>
          %add3A_668 = arith.addf %get3A_661, %get3A_667 : vector<16xf32>
          %get3A_669 = arith.constant 1 : i32
          %get3A_670 = arith.index_cast %get3A_669 : i32 to index
          %get3A_671 = arith.index_cast %scan3A_252 : i32 to index
          %get3A_672 = arith.constant 96 : index
          %get3A_673 = tpu.vector_load %arg7[%get3A_670, %get3A_671, %get3A_672] {strides = array<i32>} : memref<8x96x128xf32, #tpu.memory_space<vmem>>, vector<1x1x16xf32>,
          %get3A_674 = vector.shape_cast %get3A_673 : vector<1x1x16xf32> to vector<16xf32>
          %add3A_675 = arith.addf %add3A_668, %get3A_674 : vector<16xf32>
          %get3A_676 = arith.constant 2 : i32
          %get3A_677 = arith.index_cast %get3A_676 : i32 to index
          %get3A_678 = arith.index_cast %scan3A_252 : i32 to index
          %get3A_679 = arith.constant 96 : index
          %get3A_680 = tpu.vector_load %arg7[%get3A_677, %get3A_678, %get3A_679] {strides = array<i32>} : memref<8x96x128xf32, #tpu.memory_space<vmem>>, vector<1x1x16xf32>,
          %get3A_681 = vector.shape_cast %get3A_680 : vector<1x1x16xf32> to vector<16xf32>
          %add3A_682 = arith.addf %add3A_675, %get3A_681 : vector<16xf32>
          %get3A_683 = arith.constant 3 : i32
          %get3A_684 = arith.index_cast %get3A_683 : i32 to index
          %get3A_685 = arith.index_cast %scan3A_252 : i32 to index
          %get3A_686 = arith.constant 96 : index
          %get3A_687 = tpu.vector_load %arg7[%get3A_684, %get3A_685, %get3A_686] {strides = array<i32>} : memref<8x96x128xf32, #tpu.memory_space<vmem>>, vector<1x1x16xf32>,
          %get3A_688 = vector.shape_cast %get3A_687 : vector<1x1x16xf32> to vector<16xf32>
          %add3A_689 = arith.addf %add3A_682, %get3A_688 : vector<16xf32>
          %get3A_690 = arith.constant 4 : i32
          %get3A_691 = arith.index_cast %get3A_690 : i32 to index
          %get3A_692 = arith.index_cast %scan3A_252 : i32 to index
          %get3A_693 = arith.constant 96 : index
          %get3A_694 = tpu.vector_load %arg7[%get3A_691, %get3A_692, %get3A_693] {strides = array<i32>} : memref<8x96x128xf32, #tpu.memory_space<vmem>>, vector<1x1x16xf32>,
          %get3A_695 = vector.shape_cast %get3A_694 : vector<1x1x16xf32> to vector<16xf32>
          %add3A_696 = arith.addf %add3A_689, %get3A_695 : vector<16xf32>
          %get3A_697 = arith.constant 5 : i32
          %get3A_698 = arith.index_cast %get3A_697 : i32 to index
          %get3A_699 = arith.index_cast %scan3A_252 : i32 to index
          %get3A_700 = arith.constant 96 : index
          %get3A_701 = tpu.vector_load %arg7[%get3A_698, %get3A_699, %get3A_700] {strides = array<i32>} : memref<8x96x128xf32, #tpu.memory_space<vmem>>, vector<1x1x16xf32>,
          %get3A_702 = vector.shape_cast %get3A_701 : vector<1x1x16xf32> to vector<16xf32>
          %add3A_703 = arith.addf %add3A_696, %get3A_702 : vector<16xf32>
          %get3A_704 = arith.constant 6 : i32
          %get3A_705 = arith.index_cast %get3A_704 : i32 to index
          %get3A_706 = arith.index_cast %scan3A_252 : i32 to index
          %get3A_707 = arith.constant 96 : index
          %get3A_708 = tpu.vector_load %arg7[%get3A_705, %get3A_706, %get3A_707] {strides = array<i32>} : memref<8x96x128xf32, #tpu.memory_space<vmem>>, vector<1x1x16xf32>,
          %get3A_709 = vector.shape_cast %get3A_708 : vector<1x1x16xf32> to vector<16xf32>
          %add3A_710 = arith.addf %add3A_703, %get3A_709 : vector<16xf32>
          %get3A_711 = arith.constant 7 : i32
          %get3A_712 = arith.index_cast %get3A_711 : i32 to index
          %get3A_713 = arith.index_cast %scan3A_252 : i32 to index
          %get3A_714 = arith.constant 96 : index
          %get3A_715 = tpu.vector_load %arg7[%get3A_712, %get3A_713, %get3A_714] {strides = array<i32>} : memref<8x96x128xf32, #tpu.memory_space<vmem>>, vector<1x1x16xf32>,
          %get3A_716 = vector.shape_cast %get3A_715 : vector<1x1x16xf32> to vector<16xf32>
          %add3A_717 = arith.addf %add3A_710, %get3A_716 : vector<16xf32>
          %max3A_718 = arith.constant 0.000000e+00 : f32
          %max3A_719 = vector.broadcast %max3A_718 : f32 to vector<16xf32>
          %max3A_720 = arith.maximumf %add3A_717, %max3A_719 : vector<16xf32>
          %swap3A_721 = arith.index_cast %scan3A_252 : i32 to index
          %swap3A_722 = arith.constant 96 : index
          %swap3A_723 = tpu.vector_load %arg8[%swap3A_721, %swap3A_722] {strides = array<i32>} : memref<96x128xf32, #tpu.memory_space<vmem>>, vector<1x16xf32>,
          %swap3A_724 = vector.shape_cast %swap3A_723 : vector<1x16xf32> to vector<16xf32>
          %swap3A_725 = vector.shape_cast %max3A_720 : vector<16xf32> to vector<1x16xf32>
          tpu.vector_store %arg8[%swap3A_721, %swap3A_722], %swap3A_725 {strides = array<i32>} : memref<96x128xf32, #tpu.memory_space<vmem>>, vector<1x16xf32>,
          %get3A_726 = arith.index_cast %scan3A_252 : i32 to index
          %get3A_727 = arith.constant 112 : index
          %get3A_728 = tpu.vector_load %arg8[%get3A_726, %get3A_727] {strides = array<i32>} : memref<96x128xf32, #tpu.memory_space<vmem>>, vector<1x16xf32>,
          %get3A_729 = vector.shape_cast %get3A_728 : vector<1x16xf32> to vector<16xf32>
          %get3A_730 = arith.constant 0 : i32
          %get3A_731 = arith.index_cast %get3A_730 : i32 to index
          %get3A_732 = arith.index_cast %scan3A_252 : i32 to index
          %get3A_733 = arith.constant 112 : index
          %get3A_734 = tpu.vector_load %arg7[%get3A_731, %get3A_732, %get3A_733] {strides = array<i32>} : memref<8x96x128xf32, #tpu.memory_space<vmem>>, vector<1x1x16xf32>,
          %get3A_735 = vector.shape_cast %get3A_734 : vector<1x1x16xf32> to vector<16xf32>
          %add3A_736 = arith.addf %get3A_729, %get3A_735 : vector<16xf32>
          %get3A_737 = arith.constant 1 : i32
          %get3A_738 = arith.index_cast %get3A_737 : i32 to index
          %get3A_739 = arith.index_cast %scan3A_252 : i32 to index
          %get3A_740 = arith.constant 112 : index
          %get3A_741 = tpu.vector_load %arg7[%get3A_738, %get3A_739, %get3A_740] {strides = array<i32>} : memref<8x96x128xf32, #tpu.memory_space<vmem>>, vector<1x1x16xf32>,
          %get3A_742 = vector.shape_cast %get3A_741 : vector<1x1x16xf32> to vector<16xf32>
          %add3A_743 = arith.addf %add3A_736, %get3A_742 : vector<16xf32>
          %get3A_744 = arith.constant 2 : i32
          %get3A_745 = arith.index_cast %get3A_744 : i32 to index
          %get3A_746 = arith.index_cast %scan3A_252 : i32 to index
          %get3A_747 = arith.constant 112 : index
          %get3A_748 = tpu.vector_load %arg7[%get3A_745, %get3A_746, %get3A_747] {strides = array<i32>} : memref<8x96x128xf32, #tpu.memory_space<vmem>>, vector<1x1x16xf32>,
          %get3A_749 = vector.shape_cast %get3A_748 : vector<1x1x16xf32> to vector<16xf32>
          %add3A_750 = arith.addf %add3A_743, %get3A_749 : vector<16xf32>
          %get3A_751 = arith.constant 3 : i32
          %get3A_752 = arith.index_cast %get3A_751 : i32 to index
          %get3A_753 = arith.index_cast %scan3A_252 : i32 to index
          %get3A_754 = arith.constant 112 : index
          %get3A_755 = tpu.vector_load %arg7[%get3A_752, %get3A_753, %get3A_754] {strides = array<i32>} : memref<8x96x128xf32, #tpu.memory_space<vmem>>, vector<1x1x16xf32>,
          %get3A_756 = vector.shape_cast %get3A_755 : vector<1x1x16xf32> to vector<16xf32>
          %add3A_757 = arith.addf %add3A_750, %get3A_756 : vector<16xf32>
          %get3A_758 = arith.constant 4 : i32
          %get3A_759 = arith.index_cast %get3A_758 : i32 to index
          %get3A_760 = arith.index_cast %scan3A_252 : i32 to index
          %get3A_761 = arith.constant 112 : index
          %get3A_762 = tpu.vector_load %arg7[%get3A_759, %get3A_760, %get3A_761] {strides = array<i32>} : memref<8x96x128xf32, #tpu.memory_space<vmem>>, vector<1x1x16xf32>,
          %get3A_763 = vector.shape_cast %get3A_762 : vector<1x1x16xf32> to vector<16xf32>
          %add3A_764 = arith.addf %add3A_757, %get3A_763 : vector<16xf32>
          %get3A_765 = arith.constant 5 : i32
          %get3A_766 = arith.index_cast %get3A_765 : i32 to index
          %get3A_767 = arith.index_cast %scan3A_252 : i32 to index
          %get3A_768 = arith.constant 112 : index
          %get3A_769 = tpu.vector_load %arg7[%get3A_766, %get3A_767, %get3A_768] {strides = array<i32>} : memref<8x96x128xf32, #tpu.memory_space<vmem>>, vector<1x1x16xf32>,
          %get3A_770 = vector.shape_cast %get3A_769 : vector<1x1x16xf32> to vector<16xf32>
          %add3A_771 = arith.addf %add3A_764, %get3A_770 : vector<16xf32>
          %get3A_772 = arith.constant 6 : i32
          %get3A_773 = arith.index_cast %get3A_772 : i32 to index
          %get3A_774 = arith.index_cast %scan3A_252 : i32 to index
          %get3A_775 = arith.constant 112 : index
          %get3A_776 = tpu.vector_load %arg7[%get3A_773, %get3A_774, %get3A_775] {strides = array<i32>} : memref<8x96x128xf32, #tpu.memory_space<vmem>>, vector<1x1x16xf32>,
          %get3A_777 = vector.shape_cast %get3A_776 : vector<1x1x16xf32> to vector<16xf32>
          %add3A_778 = arith.addf %add3A_771, %get3A_777 : vector<16xf32>
          %get3A_779 = arith.constant 7 : i32
          %get3A_780 = arith.index_cast %get3A_779 : i32 to index
          %get3A_781 = arith.index_cast %scan3A_252 : i32 to index
          %get3A_782 = arith.constant 112 : index
          %get3A_783 = tpu.vector_load %arg7[%get3A_780, %get3A_781, %get3A_782] {strides = array<i32>} : memref<8x96x128xf32, #tpu.memory_space<vmem>>, vector<1x1x16xf32>,
          %get3A_784 = vector.shape_cast %get3A_783 : vector<1x1x16xf32> to vector<16xf32>
          %add3A_785 = arith.addf %add3A_778, %get3A_784 : vector<16xf32>
          %max3A_786 = arith.constant 0.000000e+00 : f32
          %max3A_787 = vector.broadcast %max3A_786 : f32 to vector<16xf32>
          %max3A_788 = arith.maximumf %add3A_785, %max3A_787 : vector<16xf32>
          %swap3A_789 = arith.index_cast %scan3A_252 : i32 to index
          %swap3A_790 = arith.constant 112 : index
          %swap3A_791 = tpu.vector_load %arg8[%swap3A_789, %swap3A_790] {strides = array<i32>} : memref<96x128xf32, #tpu.memory_space<vmem>>, vector<1x16xf32>,
          %swap3A_792 = vector.shape_cast %swap3A_791 : vector<1x16xf32> to vector<16xf32>
          %swap3A_793 = vector.shape_cast %max3A_788 : vector<16xf32> to vector<1x16xf32>
          tpu.vector_store %arg8[%swap3A_789, %swap3A_790], %swap3A_793 {strides = array<i32>} : memref<96x128xf32, #tpu.memory_space<vmem>>, vector<1x16xf32>,
        }
        %scan3A_241 = arith.constant 96 : i32
        %lt3A_242 = arith.constant 520 : i32
        %lt3A_243 = arith.cmpi slt, %add3A_9, %lt3A_242 : i32
        %convert_element_type3A_244 = arith.extui %lt3A_243 : i1 to i32
        %cond3A_245 = arith.constant 0 : i32
        %cond3A_246 = arith.cmpi ne, %convert_element_type3A_244, %cond3A_245 : i32
        scf.if %cond3A_246 {
          "tpu.region"() ({
            %run_scoped3A_252 = tpu.sem_alloc : memref<!tpu.dma_semaphore, #tpu.memory_space<semaphore_mem>>
            %dma_start3A_253 = arith.constant 0 : i32
            %dma_start3A_254 = tpu.memref_slice %arg5[%multiple_of3A, %dma_start3A_253] : memref<50000x128xf32, #tpu.memory_space<hbm>> -> memref<96x128xf32, #tpu.memory_space<hbm>>
            %dma_start3A_255 = arith.constant 0 : i32
            %dma_start3A_256 = tpu.memref_slice %arg5[%multiple_of3A, %dma_start3A_255] : memref<50000x128xf32, #tpu.memory_space<hbm>> -> memref<96x128xf32, #tpu.memory_space<hbm>>
            tpu.enqueue_dma source(%arg8 : memref<96x128xf32, #tpu.memory_space<vmem>>) target(%dma_start3A_256 : memref<96x128xf32, #tpu.memory_space<hbm>>) target_semaphore(%run_scoped3A_252 : memref<!tpu.dma_semaphore, #tpu.memory_space<semaphore_mem>>)
            %dma_wait3A_257 = arith.constant 0 : i32
            %dma_wait3A_258 = tpu.memref_slice %arg5[%multiple_of3A, %dma_wait3A_257] : memref<50000x128xf32, #tpu.memory_space<hbm>> -> memref<96x128xf32, #tpu.memory_space<hbm>>
            %dma_wait3A_259 = arith.constant 0 : i32
            %dma_wait3A_260 = tpu.memref_slice %arg5[%multiple_of3A, %dma_wait3A_259] : memref<50000x128xf32, #tpu.memory_space<hbm>> -> memref<96x128xf32, #tpu.memory_space<hbm>>
            tpu.wait_dma2 semaphore(%run_scoped3A_252 : memref<!tpu.dma_semaphore, #tpu.memory_space<semaphore_mem>>) src(%arg8 : memref<96x128xf32, #tpu.memory_space<vmem>>) dst(%dma_wait3A_260 : memref<96x128xf32, #tpu.memory_space<hbm>>)
            tpu.yield
          }) : () -> ()
        } else {
        }
        %eq3A_247 = arith.constant 520 : i32
        %eq3A_248 = arith.cmpi eq, %add3A_9, %eq3A_247 : i32
        %convert_element_type3A_249 = arith.extui %eq3A_248 : i1 to i32
        %cond3A_250 = arith.constant 0 : i32
        %cond3A_251 = arith.cmpi ne, %convert_element_type3A_249, %cond3A_250 : i32
        scf.if %cond3A_251 {
          "tpu.region"() ({
            %run_scoped3A_252 = tpu.sem_alloc : memref<!tpu.dma_semaphore, #tpu.memory_space<semaphore_mem>>
            %dma_start3A_253 = arith.constant 0 : i32
            %dma_start3A_254 = arith.constant 0 : i32
            %dma_start3A_255 = tpu.memref_slice %arg8[%dma_start3A_253, %dma_start3A_254] : memref<96x128xf32, #tpu.memory_space<vmem>> -> memref<80x128xf32, #tpu.memory_space<vmem>>
            %dma_start3A_256 = arith.constant 0 : i32
            %dma_start3A_257 = tpu.memref_slice %arg5[%multiple_of3A, %dma_start3A_256] : memref<50000x128xf32, #tpu.memory_space<hbm>> -> memref<80x128xf32, #tpu.memory_space<hbm>>
            %dma_start3A_258 = arith.constant 0 : i32
            %dma_start3A_259 = tpu.memref_slice %arg5[%multiple_of3A, %dma_start3A_258] : memref<50000x128xf32, #tpu.memory_space<hbm>> -> memref<80x128xf32, #tpu.memory_space<hbm>>
            %dma_start3A_260 = arith.constant 0 : i32
            %dma_start3A_261 = arith.constant 0 : i32
            %dma_start3A_262 = tpu.memref_slice %arg8[%dma_start3A_260, %dma_start3A_261] : memref<96x128xf32, #tpu.memory_space<vmem>> -> memref<80x128xf32, #tpu.memory_space<vmem>>
            tpu.enqueue_dma source(%dma_start3A_262 : memref<80x128xf32, #tpu.memory_space<vmem>>) target(%dma_start3A_259 : memref<80x128xf32, #tpu.memory_space<hbm>>) target_semaphore(%run_scoped3A_252 : memref<!tpu.dma_semaphore, #tpu.memory_space<semaphore_mem>>)
            %dma_wait3A_263 = arith.constant 0 : i32
            %dma_wait3A_264 = arith.constant 0 : i32
            %dma_wait3A_265 = tpu.memref_slice %arg8[%dma_wait3A_263, %dma_wait3A_264] : memref<96x128xf32, #tpu.memory_space<vmem>> -> memref<80x128xf32, #tpu.memory_space<vmem>>
            %dma_wait3A_266 = arith.constant 0 : i32
            %dma_wait3A_267 = tpu.memref_slice %arg5[%multiple_of3A, %dma_wait3A_266] : memref<50000x128xf32, #tpu.memory_space<hbm>> -> memref<80x128xf32, #tpu.memory_space<hbm>>
            %dma_wait3A_268 = arith.constant 0 : i32
            %dma_wait3A_269 = tpu.memref_slice %arg5[%multiple_of3A, %dma_wait3A_268] : memref<50000x128xf32, #tpu.memory_space<hbm>> -> memref<80x128xf32, #tpu.memory_space<hbm>>
            %dma_wait3A_270 = arith.constant 0 : i32
            %dma_wait3A_271 = arith.constant 0 : i32
            %dma_wait3A_272 = tpu.memref_slice %arg8[%dma_wait3A_270, %dma_wait3A_271] : memref<96x128xf32, #tpu.memory_space<vmem>> -> memref<80x128xf32, #tpu.memory_space<vmem>>
            tpu.wait_dma2 semaphore(%run_scoped3A_252 : memref<!tpu.dma_semaphore, #tpu.memory_space<semaphore_mem>>) src(%dma_wait3A_272 : memref<80x128xf32, #tpu.memory_space<vmem>>) dst(%dma_wait3A_269 : memref<80x128xf32, #tpu.memory_space<hbm>>)
            tpu.yield
          }) : () -> ()
        } else {
        }
      } else {
      }
    }
    %scan3A_5 = arith.constant 17 : i32
    return
  }
}

module attributes {stable_mosaic.version = 14 : i64} {
  func.func @_tc_body(%arg0: i32, %arg1: memref<400x128xf32, #tpu.memory_space<vmem>>, %arg2: memref<128x1152xf32, #tpu.memory_space<vmem>>, %arg3: memref<1x128xf32, #tpu.memory_space<vmem>>, %arg4: memref<400x128xf32, #tpu.memory_space<vmem>>, %arg5: memref<8x400x128xf32, #tpu.memory_space<vmem>>) attributes {dimension_semantics = [#tpu.dimension_semantics<arbitrary>], iteration_bounds = array<i64: 125>, scalar_prefetch = 0 : i64, scratch_operands = 0 : i64, tpu.core_type = #tpu.core_type<tc>, window_params = [{transform_indices = @transform_0, window_bounds = array<i64: 400, 128>}, {pipeline_mode = #tpu.pipeline_mode<synchronous>, transform_indices = @transform_1, window_bounds = array<i64: 128, 1152>}, {pipeline_mode = #tpu.pipeline_mode<synchronous>, transform_indices = @transform_2, window_bounds = array<i64: 1, 128>}, {transform_indices = @transform_3, window_bounds = array<i64: 400, 128>}, {transform_indices = @transform_4, window_bounds = array<i64: 8, 400, 128>}]} {
    %get3A = arith.constant 0 : index
    %get3A_0 = arith.constant 0 : index
    %get3A_1 = vector.load %arg1[%get3A, %get3A_0] : memref<400x128xf32, #tpu.memory_space<vmem>>, vector<400x128xf32>
    %get3A_2 = arith.constant 0 : index
    %get3A_3 = arith.constant 0 : index
    %get3A_4 = vector.load %arg2[%get3A_2, %get3A_3] : memref<128x1152xf32, #tpu.memory_space<vmem>>, vector<128x1152xf32>
    %dot_general3A = arith.constant dense<0.000000e+00> : vector<400x1152xf32>
    %dot_general3A_5 = tpu.matmul %get3A_1, %get3A_4, %dot_general3A {dimension_numbers = #tpu.dot_dimension_numbers<[1], [0], [0], [1], [0, 0, 1, 1], [], []>, transpose_lhs_hint = false} : vector<400x128xf32>, vector<128x1152xf32>, vector<400x1152xf32> -> vector<400x1152xf32>
    %slice3A = vector.extract_strided_slice %dot_general3A_5 {offsets = [0, 0], sizes = [400, 128], strides = [1, 1]} : vector<400x1152xf32> to vector<400x128xf32>
    %get3A_6 = arith.constant 0 : index
    %get3A_7 = arith.constant 0 : index
    %get3A_8 = vector.load %arg3[%get3A_6, %get3A_7] : memref<1x128xf32, #tpu.memory_space<vmem>>, vector<1x128xf32>
    %add3A = vector.broadcast %get3A_8 : vector<1x128xf32> to vector<400x128xf32>
    %add3A_9 = arith.addf %slice3A, %add3A : vector<400x128xf32>
    %swap3A = arith.constant 0 : index
    %swap3A_10 = arith.constant 0 : index
    %swap3A_11 = vector.load %arg4[%swap3A, %swap3A_10] : memref<400x128xf32, #tpu.memory_space<vmem>>, vector<400x128xf32>
    tpu.vector_store %arg4[%swap3A, %swap3A_10], %add3A_9 {strides = array<i32>} : memref<400x128xf32, #tpu.memory_space<vmem>>, vector<400x128xf32>,
    %slice3A_12 = vector.extract_strided_slice %dot_general3A_5 {offsets = [0, 128], sizes = [400, 128], strides = [1, 1]} : vector<400x1152xf32> to vector<400x128xf32>
    %swap3A_13 = arith.constant 0 : index
    %swap3A_14 = arith.constant 0 : index
    %swap3A_15 = arith.constant 0 : index
    %swap3A_16 = vector.load %arg5[%swap3A_13, %swap3A_14, %swap3A_15] : memref<8x400x128xf32, #tpu.memory_space<vmem>>, vector<1x400x128xf32>
    %swap3A_17 = vector.shape_cast %swap3A_16 : vector<1x400x128xf32> to vector<400x128xf32>
    %swap3A_18 = vector.shape_cast %slice3A_12 : vector<400x128xf32> to vector<1x400x128xf32>
    tpu.vector_store %arg5[%swap3A_13, %swap3A_14, %swap3A_15], %swap3A_18 {strides = array<i32>} : memref<8x400x128xf32, #tpu.memory_space<vmem>>, vector<1x400x128xf32>,
    %slice3A_19 = vector.extract_strided_slice %dot_general3A_5 {offsets = [0, 256], sizes = [400, 128], strides = [1, 1]} : vector<400x1152xf32> to vector<400x128xf32>
    %swap3A_20 = arith.constant 1 : index
    %swap3A_21 = arith.constant 0 : index
    %swap3A_22 = arith.constant 0 : index
    %swap3A_23 = vector.load %arg5[%swap3A_20, %swap3A_21, %swap3A_22] : memref<8x400x128xf32, #tpu.memory_space<vmem>>, vector<1x400x128xf32>
    %swap3A_24 = vector.shape_cast %swap3A_23 : vector<1x400x128xf32> to vector<400x128xf32>
    %swap3A_25 = vector.shape_cast %slice3A_19 : vector<400x128xf32> to vector<1x400x128xf32>
    tpu.vector_store %arg5[%swap3A_20, %swap3A_21, %swap3A_22], %swap3A_25 {strides = array<i32>} : memref<8x400x128xf32, #tpu.memory_space<vmem>>, vector<1x400x128xf32>,
    %slice3A_26 = vector.extract_strided_slice %dot_general3A_5 {offsets = [0, 384], sizes = [400, 128], strides = [1, 1]} : vector<400x1152xf32> to vector<400x128xf32>
    %swap3A_27 = arith.constant 2 : index
    %swap3A_28 = arith.constant 0 : index
    %swap3A_29 = arith.constant 0 : index
    %swap3A_30 = vector.load %arg5[%swap3A_27, %swap3A_28, %swap3A_29] : memref<8x400x128xf32, #tpu.memory_space<vmem>>, vector<1x400x128xf32>
    %swap3A_31 = vector.shape_cast %swap3A_30 : vector<1x400x128xf32> to vector<400x128xf32>
    %swap3A_32 = vector.shape_cast %slice3A_26 : vector<400x128xf32> to vector<1x400x128xf32>
    tpu.vector_store %arg5[%swap3A_27, %swap3A_28, %swap3A_29], %swap3A_32 {strides = array<i32>} : memref<8x400x128xf32, #tpu.memory_space<vmem>>, vector<1x400x128xf32>,
    %slice3A_33 = vector.extract_strided_slice %dot_general3A_5 {offsets = [0, 512], sizes = [400, 128], strides = [1, 1]} : vector<400x1152xf32> to vector<400x128xf32>
    %swap3A_34 = arith.constant 3 : index
    %swap3A_35 = arith.constant 0 : index
    %swap3A_36 = arith.constant 0 : index
    %swap3A_37 = vector.load %arg5[%swap3A_34, %swap3A_35, %swap3A_36] : memref<8x400x128xf32, #tpu.memory_space<vmem>>, vector<1x400x128xf32>
    %swap3A_38 = vector.shape_cast %swap3A_37 : vector<1x400x128xf32> to vector<400x128xf32>
    %swap3A_39 = vector.shape_cast %slice3A_33 : vector<400x128xf32> to vector<1x400x128xf32>
    tpu.vector_store %arg5[%swap3A_34, %swap3A_35, %swap3A_36], %swap3A_39 {strides = array<i32>} : memref<8x400x128xf32, #tpu.memory_space<vmem>>, vector<1x400x128xf32>,
    %slice3A_40 = vector.extract_strided_slice %dot_general3A_5 {offsets = [0, 640], sizes = [400, 128], strides = [1, 1]} : vector<400x1152xf32> to vector<400x128xf32>
    %swap3A_41 = arith.constant 4 : index
    %swap3A_42 = arith.constant 0 : index
    %swap3A_43 = arith.constant 0 : index
    %swap3A_44 = vector.load %arg5[%swap3A_41, %swap3A_42, %swap3A_43] : memref<8x400x128xf32, #tpu.memory_space<vmem>>, vector<1x400x128xf32>
    %swap3A_45 = vector.shape_cast %swap3A_44 : vector<1x400x128xf32> to vector<400x128xf32>
    %swap3A_46 = vector.shape_cast %slice3A_40 : vector<400x128xf32> to vector<1x400x128xf32>
    tpu.vector_store %arg5[%swap3A_41, %swap3A_42, %swap3A_43], %swap3A_46 {strides = array<i32>} : memref<8x400x128xf32, #tpu.memory_space<vmem>>, vector<1x400x128xf32>,
    %slice3A_47 = vector.extract_strided_slice %dot_general3A_5 {offsets = [0, 768], sizes = [400, 128], strides = [1, 1]} : vector<400x1152xf32> to vector<400x128xf32>
    %swap3A_48 = arith.constant 5 : index
    %swap3A_49 = arith.constant 0 : index
    %swap3A_50 = arith.constant 0 : index
    %swap3A_51 = vector.load %arg5[%swap3A_48, %swap3A_49, %swap3A_50] : memref<8x400x128xf32, #tpu.memory_space<vmem>>, vector<1x400x128xf32>
    %swap3A_52 = vector.shape_cast %swap3A_51 : vector<1x400x128xf32> to vector<400x128xf32>
    %swap3A_53 = vector.shape_cast %slice3A_47 : vector<400x128xf32> to vector<1x400x128xf32>
    tpu.vector_store %arg5[%swap3A_48, %swap3A_49, %swap3A_50], %swap3A_53 {strides = array<i32>} : memref<8x400x128xf32, #tpu.memory_space<vmem>>, vector<1x400x128xf32>,
    %slice3A_54 = vector.extract_strided_slice %dot_general3A_5 {offsets = [0, 896], sizes = [400, 128], strides = [1, 1]} : vector<400x1152xf32> to vector<400x128xf32>
    %swap3A_55 = arith.constant 6 : index
    %swap3A_56 = arith.constant 0 : index
    %swap3A_57 = arith.constant 0 : index
    %swap3A_58 = vector.load %arg5[%swap3A_55, %swap3A_56, %swap3A_57] : memref<8x400x128xf32, #tpu.memory_space<vmem>>, vector<1x400x128xf32>
    %swap3A_59 = vector.shape_cast %swap3A_58 : vector<1x400x128xf32> to vector<400x128xf32>
    %swap3A_60 = vector.shape_cast %slice3A_54 : vector<400x128xf32> to vector<1x400x128xf32>
    tpu.vector_store %arg5[%swap3A_55, %swap3A_56, %swap3A_57], %swap3A_60 {strides = array<i32>} : memref<8x400x128xf32, #tpu.memory_space<vmem>>, vector<1x400x128xf32>,
    %slice3A_61 = vector.extract_strided_slice %dot_general3A_5 {offsets = [0, 1024], sizes = [400, 128], strides = [1, 1]} : vector<400x1152xf32> to vector<400x128xf32>
    %swap3A_62 = arith.constant 7 : index
    %swap3A_63 = arith.constant 0 : index
    %swap3A_64 = arith.constant 0 : index
    %swap3A_65 = vector.load %arg5[%swap3A_62, %swap3A_63, %swap3A_64] : memref<8x400x128xf32, #tpu.memory_space<vmem>>, vector<1x400x128xf32>
    %swap3A_66 = vector.shape_cast %swap3A_65 : vector<1x400x128xf32> to vector<400x128xf32>
    %swap3A_67 = vector.shape_cast %slice3A_61 : vector<400x128xf32> to vector<1x400x128xf32>
    tpu.vector_store %arg5[%swap3A_62, %swap3A_63, %swap3A_64], %swap3A_67 {strides = array<i32>} : memref<8x400x128xf32, #tpu.memory_space<vmem>>, vector<1x400x128xf32>,
    return
  }
  func.func @transform_0(%arg0: i32) -> (i32, i32) {
    %c0_i32 = arith.constant 0 : i32
    %c0_i32_0 = arith.constant 0 : i32
    return %arg0, %c0_i32 : i32, i32
  }
  func.func @transform_1(%arg0: i32) -> (i32, i32) {
    %c0_i32 = arith.constant 0 : i32
    %c0_i32_0 = arith.constant 0 : i32
    %c0_i32_1 = arith.constant 0 : i32
    return %c0_i32, %c0_i32_0 : i32, i32
  }
  func.func @transform_2(%arg0: i32) -> (i32, i32) {
    %c0_i32 = arith.constant 0 : i32
    %c0_i32_0 = arith.constant 0 : i32
    %c0_i32_1 = arith.constant 0 : i32
    return %c0_i32, %c0_i32_0 : i32, i32
  }
  func.func @transform_3(%arg0: i32) -> (i32, i32) {
    %c0_i32 = arith.constant 0 : i32
    %c0_i32_0 = arith.constant 0 : i32
    return %arg0, %c0_i32 : i32, i32
  }
  func.func @transform_4(%arg0: i32) -> (i32, i32, i32) {
    %c0_i32 = arith.constant 0 : i32
    %c0_i32_0 = arith.constant 0 : i32
    %c0_i32_1 = arith.constant 0 : i32
    return %c0_i32, %arg0, %c0_i32_0 : i32, i32, i32
  }
}

</mosaic_0001>

<sc_bundles>
// kernel: kernel.4.cloned.1.call-start
scs
__scs_entry_jumppad:
0x0: {  	(pc) =	sbr.rel $0x88, $3  }
0x1: {  	(tag) =	ssettag $0x0;
	lr =	simm.s32 $0x1  }
0x2: {  	[smem:$0x3F9C] =	sst lr;
	_ =	strace $0xD0000000  }
0x3: {  	_ = 	snop  }
0x4: {  	_ = 	snop  }
0x5: {  	_ = 	snop  }
0x6: {  	_ = 	snop  }
0x7: {  	_ = 	snop  }
__scs_overlays_trampoline_lowered:
0x8: {  	[smem:$0x3FAB] =	sst s0  }
0x9: {  	[smem:$0x3FAC] =	sst s1  }
0xa: {  	[smem:$0x3FAD] =	sst s2  }
0xb: {  	[smem:$0x3FAE] =	sst s3  }
0xc: {  	[smem:$0x3FAF] =	sst s4  }
0xd: {  	[smem:$0x3FB0] =	sst s5  }
0xe: {  	[smem:$0x3FB1] =	sst s6  }
0xf: {  	[smem:$0x3FB2] =	sst s7  }
0x10: {  	[smem:$0x3FB3] =	sst s8  }
0x11: {  	[smem:$0x3FB4] =	sst s9;
	s0 =	simm.s32 @!p0 $0x0  }
0x12: {  	s1 =	sld [smem:$0x3F9A];
	s0 =	simm.s32 @p0 $0x1  }
0x13: {  	[smem:$0x3FB5] =	sst s0;
	s0 =	simm.s32 @!p1 $0x0  }
0x14: {  	s2 =	sld [smem:$0x3F99];
	s0 =	simm.s32 @p1 $0x1  }
0x15: {  	[smem:$0x3FB6] =	sst s0;
	s0 =	simm.s32 @!p2 $0x0  }
0x16: {  	s3 =	sld [smem:$0x3FDB];
	s0 =	simm.s32 @p2 $0x1  }
0x17: {  	s4 =	simm.s32 $0x1BF5;
	[smem:$0x3FB8] =	sst s0  }
0x18: {  	s0 =	sld [smem:$0x3F9B];
	_ =	swait.ge [sflag:s4], $0x0  }
0x19: {  	s7 =	sld [smem:$0x3F9C]  }
0x1a: {  	s8 =	sadd.s32 $0xFFFFE003, lr  }
0x1b: {  	s9 =	sadd.s32 $0xFFFFFEF7, lr;
	s5 =	simm.s32 $0xFFFFFFFF;
	p2 =	slt.u32 s8, $0xFFFFF086  }
0x1c: {  	p1 =	slt.u32 s9, $0xF7A;
	s5 =	simm.s32 @!p2 $0x0  }
0x1d: {  	s5 =	simm.s32 @p1 $0x1;
	p0 =	seq.s32 s7, s2  }
0x1e: {  	s7 =	smul.u32 @!p0 $0xF7A, s2;
	p2 =	seq.s32 @!p0 s5, $0x0  }
0x1f: {  	s9 =	smul.u32 $0xF7A, s1;
	s8 =	simm.s32 @!p0 $0x1BF5;
	p2 =	por !p2, p0  }
0x20: {  	[sflag:s8] =	ssyncset.s32 @!p0 $0xFFFFF086;
	s6 =	sadd.s32 @!p0 s3, s7;
	s7 =	simm.s32 @!p0 $0x108  }
0x21: {  	s3 =	sadd.s32 s3, s9;
	s6 =	sadd.s32 @!p0 $0x88, s6;
	s7 =	simm.s32 @p2 $0x1082  }
0x22: {  	[simem:s7], [sflag:s8] =	dma.local @!p0 [hbm:s6], $0xF7A  }
0x23: {  	s9 =	sor.u32 $0xD0000000, s2;
	s6 =	simm.s32 $0x108;
	_ =	swait.ge @!p0 [sflag:s8], $0x0  }
0x24: {  	s3 =	sadd.s32 $0x88, s3;
	s6 =	simm.s32 @!p1 $0x1082;
	[sflag:s4] =	ssyncset.s32 $0xFFFFF086  }
0x25: {  	[simem:s6], [sflag:s4] =	dma.local [hbm:s3], $0xF7A  }
0x26: {  	[smem:$0x3F9C] =	sst s1;
	(tag) =	ssettag s2;
	_ =	strace s9  }
0x27: {  	s1 =	sld [smem:$0x3FAC]  }
0x28: {  	s2 =	sld [smem:$0x3FAD]  }
0x29: {  	s4 =	sld [smem:$0x3FAF]  }
0x2a: {  	p0 =	seq.s32 s5, $0x0;
	s5 =	sld [smem:$0x3FB0]  }
0x2b: {  	s6 =	sld [smem:$0x3FB1]  }
0x2c: {  	s7 =	sld [smem:$0x3FB2]  }
0x2d: {  	s3 =	simm.s32 $0x108;
	s8 =	sld [smem:$0x3FB3]  }
0x2e: {  	s3 =	simm.s32 @!p0 $0x1082;
	s9 =	sld [smem:$0x3FB4]  }
0x2f: {  	lr =	sadd.s32 s0, s3;
	s0 =	sld [smem:$0x3FAB]  }
0x30: {  	s3 =	sld [smem:$0x3FAE]  }
0x31: {  	[smem:$0x3FB7] =	sst s10  }
0x32: {  	s10 =	sld [smem:$0x3FB5];
	_ =	sdelay $0x3  }
0x33: {  	p0 =	seq.s32 s10, $0x1;
	s10 =	sld [smem:$0x3FB7];
	_ =	sdelay $0x3  }
0x34: {  	[smem:$0x3FB7] =	sst s10  }
0x35: {  	s10 =	sld [smem:$0x3FB6];
	_ =	sdelay $0x3  }
0x36: {  	p1 =	seq.s32 s10, $0x1;
	s10 =	sld [smem:$0x3FB7];
	_ =	sdelay $0x3  }
0x37: {  	[smem:$0x3FB7] =	sst s10  }
0x38: {  	s10 =	sld [smem:$0x3FB8]  }
0x39: {  	_ = 	snop;
	(pc) =	sbr.ind lr, $3  }
0x3a: {  	_ = 	snop  }
0x3b: {  	_ = 	snop  }
0x3c: {  	p2 =	seq.s32 s10, $0x1;
	s10 =	sld [smem:$0x3FB7]  }
0x3d: {  	_ =	shalt  }
0x3e: {  	_ =	shalt  }
0x3f: {  	_ =	shalt  }
0x40: {  	_ =	shalt  }
0x41: {  	_ =	shalt  }
0x42: {  	_ =	shalt  }
0x43: {  	_ =	shalt  }
0x44: {  	_ =	shalt  }
0x45: {  	_ =	shalt  }
0x46: {  	_ =	shalt  }
0x47: {  	_ =	shalt  }
0x48: {  	_ =	shalt  }
0x49: {  	_ =	shalt  }
0x4a: {  	_ =	shalt  }
0x4b: {  	_ =	shalt  }
0x4c: {  	_ =	shalt  }
0x4d: {  	_ =	shalt  }
0x4e: {  	_ =	shalt  }
0x4f: {  	_ =	shalt  }
0x50: {  	_ =	shalt  }
0x51: {  	_ =	shalt  }
0x52: {  	_ =	shalt  }
0x53: {  	_ =	shalt  }
0x54: {  	_ =	shalt  }
0x55: {  	_ =	shalt  }
0x56: {  	_ =	shalt  }
0x57: {  	_ =	shalt  }
0x58: {  	_ =	shalt  }
0x59: {  	_ =	shalt  }
0x5a: {  	_ =	shalt  }
0x5b: {  	_ =	shalt  }
0x5c: {  	_ =	shalt  }
0x5d: {  	_ =	shalt  }
0x5e: {  	_ =	shalt  }
0x5f: {  	_ =	shalt  }
0x60: {  	_ =	shalt  }
0x61: {  	_ =	shalt  }
0x62: {  	_ =	shalt  }
0x63: {  	_ =	shalt  }
0x64: {  	_ =	shalt  }
0x65: {  	_ =	shalt  }
0x66: {  	_ =	shalt  }
0x67: {  	_ =	shalt  }
0x68: {  	_ =	shalt  }
0x69: {  	_ =	shalt  }
0x6a: {  	_ =	shalt  }
0x6b: {  	_ =	shalt  }
0x6c: {  	_ =	shalt  }
0x6d: {  	_ =	shalt  }
0x6e: {  	_ =	shalt  }
0x6f: {  	_ =	shalt  }
0x70: {  	_ =	shalt  }
0x71: {  	_ =	shalt  }
0x72: {  	_ =	shalt  }
0x73: {  	_ =	shalt  }
0x74: {  	_ =	shalt  }
0x75: {  	_ =	shalt  }
0x76: {  	_ =	shalt  }
0x77: {  	_ =	shalt  }
0x78: {  	_ =	shalt  }
0x79: {  	_ =	shalt  }
0x7a: {  	_ =	shalt  }
0x7b: {  	_ =	shalt  }
0x7c: {  	_ =	shalt  }
0x7d: {  	_ =	shalt  }
0x7e: {  	_ =	shalt  }
0x7f: {  	_ =	shalt  }
0x80: {  	_ =	shalt  }
0x81: {  	_ =	shalt  }
0x82: {  	_ =	shalt  }
0x83: {  	_ =	shalt  }
0x84: {  	_ =	shalt  }
0x85: {  	_ =	shalt  }
0x86: {  	_ =	shalt  }
0x87: {  	_ =	shalt  }
.Lfunc_end0:
.L_simem_size_0:
called_computation_lowered:
.L_overlay_start_0:
0x88: {  	s2 =	sld [smem:$0x3FD9]  }
0x89: {  	s3 =	sld [smem:$0x3FFE];
	_ =	sdelay $0x1  }
0x8a: {  	s1 =	srdreg.scid  }
0x8b: {  	s0 =	sand.u32 $0x1, s1  }
0x8c: {  	s17 =	sshll.u32 s0, $0xA;
	s2 =	sadd.s32 s3, s2  }
0x8d: {  	s2 =	sadd.s32 s2, s17  }
0x8e: {  	[smem:$0x3FC3] =	sst s2  }
0x8f: {  	_ = 	snop  }
0x90: {  	s2 =	sld [smem:$0x3FD0];
	(tm) =	ssettm $0x1  }
0x91: {  	s18 =	sld [smem:$0x3FFB];
	_ =	sdelay $0x3  }
0x92: {  	_ =	strace s18  }
0x93: {  	s3 =	sld [smem:$0x3FFC];
	_ =	sdelay $0x3  }
0x94: {  	_ =	strace s3  }
0x95: {  	s3 =	sld [smem:$0x3FFD];
	_ =	sdelay $0x3  }
0x96: {  	_ =	strace s3  }
0x97: {  	_ =	strace $0x8FFFFFFF  }
0x98: {  	s19 =	sld [smem:$0x3FDB];
	_ =	sdelay $0x1  }
0x99: {  	s4 =	simm.s32 $_scs_section_size  }
0x9a: {  	s5 =	simm.s32 $_size__tile_overlayer_lowered;
	s6 =	simm.s32 $_tile_overlayer_lowered  }
0x9b: {  	s22 =	simm.s32 $0x1BFF;
	s21 =	sshll.u32 s6, $0x1;
	s3 =	sadd.s32 s4, s19  }
0x9c: {  	s7 =	simm.s32 $0x0;
	s20 =	sshll.u32 s5, $0x1;
	s5 =	sadd.s32 s21, s3  }
0x9d: {  	[timem:s7], [sflag:s22] =	dma.local [hbm:s5], s20  }
0x9e: {  	_ =	swait.ge [sflag:s22], s20  }
0x9f: {  	s4 =	ssub.s32 $0x0, s20;
	[sflag:s22] =	ssyncset.done $0x0  }
0xa0: {  	[sflag:s22] =	ssyncadd.s32 s4;
	_ =	sdelay $0x1  }
0xa1: {  	s23 =	simm.s32 $0x1B8B  }
0xa2: {  	_ =	swait.ge [sflag:s23], $0x1  }
0xa3: {  	[sflag:s23] =	ssyncset.done $0x0  }
0xa4: {  	s25 =	simm.s32 $0x1B8E;
	s24 =	sld [smem:$0x3FFE];
	[sflag:s23] =	ssyncadd.s32 $0xFFFFFFFF  }
0xa5: {  	s26 =	simm.s32 $execute0_lowered;
	[smem:$0x3FD2] =	sst s25  }
0xa6: {  	s5 =	sshll.u32 s26, $0x1;
	_ =	strace $0x80000046;
	[dreg:$0x1] =	wrdreg $0xFFFFFFFF  }
0xa7: {  	s28 =	simm.s32 $_size_execute0_lowered;
	s3 =	sadd.s32 s3, s5;
	[dreg:$0x0] =	wrdreg $0x0  }
0xa8: {  	s5 =	sshll.u32 s28, $0x1;
	[dreg:$0x2] =	wrdreg s3  }
0xa9: {  	[dreg:$0x3] =	wrdreg s5  }
0xaa: {  	[dreg:$0x4] =	wrdreg $0xC0  }
0xab: {  	_ =	task [dreg:s7], $0x5FFFF  }
0xac: {  	[dreg:$0x1] =	wrdreg $0xFFFFFFFF  }
0xad: {  	[dreg:$0x0] =	wrdreg $0x60  }
0xae: {  	[dreg:$0x2] =	wrdreg s24  }
0xaf: {  	[dreg:$0x3] =	wrdreg s2  }
0xb0: {  	[dreg:$0x4] =	wrdreg $0x9  }
0xb1: {  	_ =	task.clear_ibuf [dreg:s7], $0x5FFFF;
	_ =	strace $0x90000046  }
0xb2: {  	s29 =	simm.s32 $0x9;
	_ =	strace $0x80000048  }
0xb3: {  	_ =	swait.ge [sflag:s29], $0x1  }
0xb4: {  	[sflag:s29] =	ssyncadd.s32 $0xFFFFFFFF  }
0xb5: {  	_ =	strace $0x90000048  }
0xb6: {  	_ =	sfence  }
0xb7: {  	s30 =	sld [smem:$0x0];
	_ =	sdelay $0x2  }
0xb8: {  	s31 =	sshll.u32 s1, $0xD;
	s1 =	sshrl.u32 s1, $0x2  }
0xb9: {  	s3 =	sand.u32 $0x4000, s31;
	s1 =	sadd.s32 s1, s30  }
0xba: {  	s0 =	sor.u32 s3, s0;
	s1 =	sshll.u32 s1, $0x11  }
0xbb: {  	s0 =	sor.u32 s1, s0  }
0xbc: {  	s0 =	sadd.s32 $0x8F2B, s0  }
0xbd: {  	[sflag:s0] =	ssyncadd.remote.s32 $0x1  }
0xbe: {  	_ =	sfence.sel $0xFFFF  }
0xbf: {  	[dreg:$0x0] =	wrdreg $0xFFFFFFFF;
	(pc) =	sbr.abs _section_cstart, $3  }
0xc0: {  	[dreg:$0x1] =	wrdreg $0xFFFFFFFF  }
0xc1: {  	_ =	task.clear_ibuf [dreg:s7], $0x2FFFF;
	_ =	strace $0x9FFFFFFF  }
0xc2: {  	(tm) =	ssettm $0x7FFFFFFF  }
0xc3: {  	_ =	shalt  }
tec
execute0_lowered:
.L_overlay_start_1:
0x0: {  	(tag) =	ssettag $0x1  }
0x1: {  	s0 =	rddreg [dreg:$0x0]  }
0x2: {  	s1 =	rddreg [dreg:$0x1];
	s2 =	simm.s32 $0x0  }
0x3: {  	s3 =	srdreg.scid;
	s9 =	stileid.u32;
	s12 =	simm.s32 $0x3  }
0x4: {  	s13 =	simm.s32 $0x80;
	s14 =	simm.s32 $0x100;
	s15 =	simm.s32 $0x180  }
0x5: {  	s16 =	simm.s32 $0x200;
	s17 =	simm.s32 $0x280;
	s18 =	simm.s32 $0x300  }
0x6: {  	s19 =	simm.s32 $0x380;
	s20 =	simm.s32 $0x60;
	s21 =	simm.s32 $0x400  }
0x7: {  	s22 =	simm.s32 $0x3400;
	s23 =	simm.s32 $0x6400;
	s24 =	simm.s32 $0x9400  }
0x8: {  	s25 =	simm.s32 $0xC400;
	s26 =	simm.s32 $0xF400;
	s28 =	simm.s32 $0x12400  }
0x9: {  	s29 =	simm.s32 $0x15400;
	s30 =	simm.s32 $0x1;
	s3 =	sand.u32 $0x1, s3  }
.Ltmp0:
0xa: {  	[smem:$0x7FF] =	sst s2;
	s4 =	ssub.s32 $0x2, s3;
	(pc) =	sbr.rel .LBB2_1-.Ltmp0, $4  }
0xb: {  	s5 =	sadd.s32 $0xD0400, s0;
	s6 =	sadd.s32 $0xCE00, s0;
	s8 =	sshrl.u32 s4, $0x1  }
0xc: {  	s7 =	sadd.s32 $0xA00, s0;
	s10 =	sadd.s32 $0xC3000, s1;
	s4 =	ssub.s32 s4, s8  }
0xd: {  	s1 =	simm.s32 $0x0;
	_ =	strace $0x80000047;
	s31 =	smax.u32 s4, $0x1  }
0xe: {  	s8 =	sshll.u32 s9, $0x1;
	s9 =	sadd.s32 $0xCFE00, s0;
	[dreg:$0x3] =	wrdreg s31  }
.LBB2_7:
0xf: {  	s1 =	rddreg [dreg:$0x4]  }
0x10: {  	s0 =	rddreg [dreg:$0x3];
	s1 =	sadd.s32 $0x1, s1  }
0x11: {  	p0 =	sne.s32 s1, s0  }
.Ltmp1:
0x12: {  	_ = 	snop;
	(pc) =	sbr.rel @!p0 .LBB2_8-.Ltmp1, $1  }
0x13: {  	_ =	sdelay $0x3  }
.LBB2_1:
.Ltmp2:
0x14: {  	(pc) =	sbr.rel .LBB2_2-.Ltmp2, $2  }
0x15: {  	_ =	sdelay $0x2  }
0x16: {  	[dreg:$0x4] =	wrdreg s1;
	s0 =	simm.s32 $0x0  }
.LBB2_6:
0x17: {  	s0 =	sadd.s32 $0x1, s0  }
0x18: {  	p0 =	sne.s32 s0, $0x11  }
.Ltmp3:
0x19: {  	_ = 	snop;
	(pc) =	sbr.rel @!p0 .LBB2_7-.Ltmp3, $1  }
0x1a: {  	_ =	sdelay $0x3  }
.LBB2_2:
0x1b: {  	s4 =	sshll.u32 s0, $0x5  }
0x1c: {  	s4 =	sor.u32 s4, s8  }
0x1d: {  	s4 =	sor.u32 s3, s4  }
0x1e: {  	p0 =	sgt.u32 s4, $0x208  }
.Ltmp4:
0x1f: {  	_ = 	snop;
	(pc) =	sbr.rel @p0 .LBB2_6-.Ltmp4, $1  }
0x20: {  	_ =	sdelay $0x3  }
0x21: {  	s11 =	smul.u32 $0x60, s4;
	_ =	sdelay $0x1  }
0x22: {  	s11 =	sshrl.u32 s11, $0x3  }
0x23: {  	s11 =	sadd.s32 s7, s11  }
0x24: {  	[tilespmem:s2], [sflag:$0x3] =	stream.linear.gather [hbm4b:s11+s2], $0x60, $0x38;
	[tilespmem:$0x1B400] =	vst v63  }
0x25: {  	_ =	swait.ge [sflag:s12], $0x60  }
0x26: {  	[sflag:s12] =	ssyncset.done $0x0  }
0x27: {  	s31 =	sadd.s32 $0x1878, s11;
	[sflag:s12] =	ssyncadd.s32 $0xFFFFFFA0  }
0x28: {  	[tilespmem:s13], [sflag:$0x3] =	stream.linear.gather [hbm4b:s31+s2], $0x60, $0x38;
	[tilespmem:$0x1B400] =	vst v63  }
0x29: {  	_ =	swait.ge [sflag:s12], $0x60  }
0x2a: {  	[sflag:s12] =	ssyncset.done $0x0  }
0x2b: {  	s31 =	sadd.s32 $0x30F0, s11;
	[sflag:s12] =	ssyncadd.s32 $0xFFFFFFA0  }
0x2c: {  	[tilespmem:s14], [sflag:$0x3] =	stream.linear.gather [hbm4b:s31+s2], $0x60, $0x38;
	[tilespmem:$0x1B400] =	vst v63  }
0x2d: {  	_ =	swait.ge [sflag:s12], $0x60  }
0x2e: {  	[sflag:s12] =	ssyncset.done $0x0  }
0x2f: {  	s31 =	sadd.s32 $0x4968, s11;
	[sflag:s12] =	ssyncadd.s32 $0xFFFFFFA0  }
0x30: {  	[tilespmem:s15], [sflag:$0x3] =	stream.linear.gather [hbm4b:s31+s2], $0x60, $0x38;
	[tilespmem:$0x1B400] =	vst v63  }
0x31: {  	_ =	swait.ge [sflag:s12], $0x60  }
0x32: {  	[sflag:s12] =	ssyncset.done $0x0  }
0x33: {  	s31 =	sadd.s32 $0x61E0, s11;
	[sflag:s12] =	ssyncadd.s32 $0xFFFFFFA0  }
0x34: {  	[tilespmem:s16], [sflag:$0x3] =	stream.linear.gather [hbm4b:s31+s2], $0x60, $0x38;
	[tilespmem:$0x1B400] =	vst v63  }
0x35: {  	_ =	swait.ge [sflag:s12], $0x60  }
0x36: {  	[sflag:s12] =	ssyncset.done $0x0  }
0x37: {  	s31 =	sadd.s32 $0x7A58, s11;
	[sflag:s12] =	ssyncadd.s32 $0xFFFFFFA0  }
0x38: {  	[tilespmem:s17], [sflag:$0x3] =	stream.linear.gather [hbm4b:s31+s2], $0x60, $0x38;
	[tilespmem:$0x1B400] =	vst v63  }
0x39: {  	_ =	swait.ge [sflag:s12], $0x60  }
0x3a: {  	[sflag:s12] =	ssyncset.done $0x0  }
0x3b: {  	s31 =	sadd.s32 $0x92D0, s11;
	[sflag:s12] =	ssyncadd.s32 $0xFFFFFFA0  }
0x3c: {  	[tilespmem:s18], [sflag:$0x3] =	stream.linear.gather [hbm4b:s31+s2], $0x60, $0x38;
	[tilespmem:$0x1B400] =	vst v63  }
0x3d: {  	_ =	swait.ge [sflag:s12], $0x60  }
0x3e: {  	[sflag:s12] =	ssyncset.done $0x0  }
0x3f: {  	s11 =	sadd.s32 $0xAB48, s11;
	[sflag:s12] =	ssyncadd.s32 $0xFFFFFFA0  }
0x40: {  	[tilespmem:s19], [sflag:$0x3] =	stream.linear.gather [hbm4b:s11+s2], $0x60, $0x38;
	[tilespmem:$0x1B400] =	vst v63  }
0x41: {  	_ =	swait.ge [sflag:s12], $0x60  }
0x42: {  	[sflag:s12] =	ssyncset.done $0x0  }
0x43: {  	[sflag:s12] =	ssyncadd.s32 $0xFFFFFFA0  }
0x44: {  	[tilespmem:s21], [sflag:$0x1] =	stream.indirect.gather [hbm4b:s5+s20], $0x80, s2, s20, $0xb8;
	[tilespmem:$0x1B400] =	vst v63  }
0x45: {  	_ = 	snop  }
0x46: {  	[tilespmem:s22], [sflag:$0x1] =	stream.indirect.gather [hbm4b:s5+s20], $0x80, s13, s20, $0xb8;
	[tilespmem:$0x1B400] =	vst v63  }
0x47: {  	_ = 	snop  }
0x48: {  	[tilespmem:s23], [sflag:$0x1] =	stream.indirect.gather [hbm4b:s5+s20], $0x80, s14, s20, $0xb8;
	[tilespmem:$0x1B400] =	vst v63  }
0x49: {  	_ = 	snop  }
0x4a: {  	[tilespmem:s24], [sflag:$0x1] =	stream.indirect.gather [hbm4b:s5+s20], $0x80, s15, s20, $0xb8;
	[tilespmem:$0x1B400] =	vst v63  }
0x4b: {  	_ = 	snop  }
0x4c: {  	[tilespmem:s25], [sflag:$0x1] =	stream.indirect.gather [hbm4b:s5+s20], $0x80, s16, s20, $0xb8;
	[tilespmem:$0x1B400] =	vst v63  }
0x4d: {  	_ = 	snop  }
0x4e: {  	[tilespmem:s26], [sflag:$0x1] =	stream.indirect.gather [hbm4b:s5+s20], $0x80, s17, s20, $0xb8;
	[tilespmem:$0x1B400] =	vst v63  }
0x4f: {  	_ = 	snop  }
0x50: {  	[tilespmem:s28], [sflag:$0x1] =	stream.indirect.gather [hbm4b:s5+s20], $0x80, s18, s20, $0xb8;
	[tilespmem:$0x1B400] =	vst v63  }
0x51: {  	p0 =	seq.s32 s4, $0x208  }
0x52: {  	[tilespmem:s29], [sflag:$0x1] =	stream.indirect.gather [hbm4b:s5+s20], $0x80, s19, s20, $0xb8;
	[tilespmem:$0x1B400] =	vst v63  }
0x53: {  	s31 =	simm.s32 @p0 $0x18400;
	s11 =	simm.s32 @p0 $0x0  }
0x54: {  	[tilespmem:s31], [sflag:$0x3] =	stream.linear.gather @p0 [hbm4b:s9+s11], $0x2800, $0x38;
	[tilespmem:$0x1B400] =	vst v63  }
0x55: {  	s11 =	simm.s32 @p0 $0x3  }
0x56: {  	s4 =	smul.u32 @!p0 $0x600, s4;
	_ =	swait.ge @p0 [sflag:s11], $0x2800  }
0x57: {  	s1 =	simm.s32 @!p0 $0x18400;
	[sflag:s11] =	ssyncset.done @p0 $0x0  }
0x58: {  	s31 =	simm.s32 @!p0 $0x0;
	[sflag:s11] =	ssyncadd.s32 @p0 $0xFFFFD800;
	s11 =	sadd.s32 @!p0 s6, s4  }
0x59: {  	[tilespmem:s1], [sflag:$0x3] =	stream.linear.gather @!p0 [hbm4b:s11+s31], $0x3000, $0x38;
	[tilespmem:$0x1B400] =	vst v63  }
0x5a: {  	s1 =	simm.s32 @!p0 $0x3  }
0x5b: {  	_ =	swait.ge @!p0 [sflag:s1], $0x3000  }
0x5c: {  	[sflag:s1] =	ssyncset.done @!p0 $0x0  }
0x5d: {  	[sflag:s1] =	ssyncadd.s32 @!p0 $0xFFFFD000  }
0x5e: {  	_ =	swait.ge [sflag:s30], $0x3000  }
0x5f: {  	[sflag:s30] =	ssyncset.done $0x0  }
0x60: {  	[sflag:s30] =	ssyncadd.s32 $0xFFFFD000  }
0x61: {  	_ =	swait.ge [sflag:s30], $0x3000  }
0x62: {  	[sflag:s30] =	ssyncset.done $0x0  }
0x63: {  	[sflag:s30] =	ssyncadd.s32 $0xFFFFD000  }
0x64: {  	_ =	swait.ge [sflag:s30], $0x3000  }
0x65: {  	[sflag:s30] =	ssyncset.done $0x0  }
0x66: {  	[sflag:s30] =	ssyncadd.s32 $0xFFFFD000  }
0x67: {  	_ =	swait.ge [sflag:s30], $0x3000  }
0x68: {  	[sflag:s30] =	ssyncset.done $0x0  }
0x69: {  	[sflag:s30] =	ssyncadd.s32 $0xFFFFD000  }
0x6a: {  	_ =	swait.ge [sflag:s30], $0x3000  }
0x6b: {  	[sflag:s30] =	ssyncset.done $0x0  }
0x6c: {  	[sflag:s30] =	ssyncadd.s32 $0xFFFFD000  }
0x6d: {  	_ =	swait.ge [sflag:s30], $0x3000  }
0x6e: {  	[sflag:s30] =	ssyncset.done $0x0  }
0x6f: {  	[sflag:s30] =	ssyncadd.s32 $0xFFFFD000  }
0x70: {  	_ =	swait.ge [sflag:s30], $0x3000  }
0x71: {  	[sflag:s30] =	ssyncset.done $0x0  }
0x72: {  	[sflag:s30] =	ssyncadd.s32 $0xFFFFD000  }
0x73: {  	_ =	swait.ge [sflag:s30], $0x3000  }
0x74: {  	[sflag:s30] =	ssyncset.done $0x0  }
0x75: {  	s11 =	simm.s32 $0x0;
	[sflag:s30] =	ssyncadd.s32 $0xFFFFD000  }
0x76: {  	v6 =	vld [tilespmem:s11+$0x15400]  }
0x77: {  	v7 =	vld [tilespmem:s11+$0x15410]  }
0x78: {  	v8 =	vld [tilespmem:s11+$0x15420]  }
0x79: {  	v9 =	vld [tilespmem:s11+$0x15430]  }
0x7a: {  	v1 =	vld [tilespmem:s11+$0x15440]  }
0x7b: {  	v0 =	vld [tilespmem:s11+$0x15450]  }
0x7c: {  	v25 =	vld [tilespmem:s11+$0x12400]  }
0x7d: {  	v26 =	vld [tilespmem:s11+$0x12410]  }
0x7e: {  	v13 =	vld [tilespmem:s11+$0x12420]  }
0x7f: {  	v12 =	vld [tilespmem:s11+$0x12430]  }
0x80: {  	v3 =	vld [tilespmem:s11+$0x12440]  }
0x81: {  	v2 =	vld [tilespmem:s11+$0x12450]  }
0x82: {  	v20 =	vld [tilespmem:s11+$0xF400]  }
0x83: {  	v24 =	vld [tilespmem:s11+$0xF410]  }
0x84: {  	v28 =	vld [tilespmem:s11+$0xF420]  }
0x85: {  	v30 =	vld [tilespmem:s11+$0xF430]  }
0x86: {  	v5 =	vld [tilespmem:s11+$0xF440]  }
0x87: {  	v4 =	vld [tilespmem:s11+$0xF450]  }
0x88: {  	v22 =	vld [tilespmem:s11+$0xC400]  }
0x89: {  	v23 =	vld [tilespmem:s11+$0xC410]  }
0x8a: {  	v27 =	vld [tilespmem:s11+$0xC420]  }
0x8b: {  	v29 =	vld [tilespmem:s11+$0xC430]  }
0x8c: {  	v11 =	vld [tilespmem:s11+$0xC440]  }
0x8d: {  	v10 =	vld [tilespmem:s11+$0xC450]  }
0x8e: {  	v19 =	vld [tilespmem:s11+$0x9400]  }
0x8f: {  	v21 =	vld [tilespmem:s11+$0x9410]  }
0x90: {  	v31 =	vld [tilespmem:s11+$0x9420]  }
0x91: {  	v32 =	vld [tilespmem:s11+$0x9430]  }
0x92: {  	v15 =	vld [tilespmem:s11+$0x9440]  }
0x93: {  	v14 =	vld [tilespmem:s11+$0x9450]  }
0x94: {  	v17 =	vld [tilespmem:s11+$0x6400]  }
0x95: {  	v18 =	vld [tilespmem:s11+$0x6410]  }
0x96: {  	v16 =	vld [tilespmem:s11+$0x3400]  }
0x97: {  	v33 =	vld [tilespmem:s11+$0x3410]  }
0x98: {  	v34 =	vld [tilespmem:s11+$0x400]  }
0x99: {  	v35 =	vld [tilespmem:s11+$0x410]  }
0x9a: {  	v36 =	vld [tilespmem:s11+$0x420]  }
0x9b: {  	v37 =	vld [tilespmem:s11+$0x430]  }
0x9c: {  	v38 =	vld [tilespmem:s11+$0x18400]  }
0x9d: {  	v39 =	vld [tilespmem:s11+$0x18410]  }
0x9e: {  	v40 =	vld [tilespmem:s11+$0x18420]  }
0x9f: {  	v41 =	vld [tilespmem:s11+$0x18430]  }
0xa0: {  	v42 =	vld [tilespmem:s11+$0x3420]  }
0xa1: {  	v60 =	vld [tilespmem:s11+$0x3430];
	v34 =	vadd.f32 v34, v38  }
0xa2: {  	v61 =	vld [tilespmem:s11+$0x6420];
	v35 =	vadd.f32 v35, v39  }
0xa3: {  	v62 =	vld [tilespmem:s11+$0x6430];
	v36 =	vadd.f32 v36, v40;
	v34 =	vadd.f32 v16, v34  }
0xa4: {  	v63 =	vadd.f32 v37, v41;
	v33 =	vadd.f32 v33, v35;
	v16 =	vld [tilespmem:s11+$0x6440]  }
0xa5: {  	v36 =	vadd.f32 v42, v36;
	v34 =	vadd.f32 v17, v34;
	v17 =	vld [tilespmem:s11+$0x6450]  }
0xa6: {  	v35 =	vadd.f32 v60, v63;
	v33 =	vadd.f32 v18, v33;
	v18 =	vld [tilespmem:s11+$0x3440]  }
0xa7: {  	v36 =	vadd.f32 v61, v36;
	v34 =	vadd.f32 v19, v34;
	v19 =	vld [tilespmem:s11+$0x3450]  }
0xa8: {  	v35 =	vadd.f32 v62, v35;
	v33 =	vadd.f32 v21, v33;
	v21 =	vld [tilespmem:s11+$0x440]  }
0xa9: {  	v31 =	vadd.f32 v31, v36;
	v34 =	vadd.f32 v22, v34;
	v22 =	vld [tilespmem:s11+$0x450]  }
0xaa: {  	v32 =	vadd.f32 v32, v35;
	v33 =	vadd.f32 v23, v33;
	v23 =	vld [tilespmem:s11+$0x460]  }
0xab: {  	v31 =	vadd.f32 v27, v31;
	v34 =	vadd.f32 v20, v34;
	v20 =	vld [tilespmem:s11+$0x470]  }
0xac: {  	v32 =	vadd.f32 v29, v32;
	v33 =	vadd.f32 v24, v33;
	v24 =	vld [tilespmem:s11+$0x18440]  }
0xad: {  	v28 =	vadd.f32 v28, v31;
	v27 =	vadd.f32 v25, v34;
	v25 =	vld [tilespmem:s11+$0x18450]  }
0xae: {  	s31 =	simm.s32 $0x200;
	v30 =	vadd.f32 v30, v32;
	v29 =	vadd.f32 v26, v33;
	v26 =	vld [tilespmem:s11+$0x18460]  }
.LBB2_4:
0xaf: {  	p1 =	sne.s32 s31, $0xBE00;
	v6 =	vadd.f32 v6, v27;
	v13 =	vadd.f32 v13, v28;
	v27 =	vld [tilespmem:s11+$0x18470]  }
0xb0: {  	v7 =	vadd.f32 v7, v29;
	v12 =	vadd.f32 v12, v30;
	v28 =	vld [tilespmem:s11+$0x3460]  }
0xb1: {  	v8 =	vadd.f32 v8, v13;
	v13 =	vadd.f32 v21, v24;
	v21 =	vld [tilespmem:s11+$0x3470]  }
0xb2: {  	v9 =	vadd.f32 v9, v12;
	v12 =	vadd.f32 v22, v25;
	v22 =	vld [tilespmem:s11+$0x6460]  }
0xb3: {  	v13 =	vadd.f32 v18, v13;
	v18 =	vadd.f32 v23, v26;
	v23 =	vld [tilespmem:s11+$0x6470]  }
0xb4: {  	v12 =	vadd.f32 v19, v12;
	v19 =	vld [tilespmem:s11+$0x9460];
	v20 =	vadd.f32 v20, v27  }
0xb5: {  	v13 =	vadd.f32 v16, v13;
	v16 =	vadd.f32 v28, v18;
	v18 =	vld [tilespmem:s11+$0x9470]  }
0xb6: {  	v12 =	vadd.f32 v17, v12;
	v17 =	vld [tilespmem:s11+$0xC460];
	v20 =	vadd.f32 v21, v20  }
0xb7: {  	v13 =	vadd.f32 v15, v13;
	v15 =	vadd.f32 v22, v16;
	v16 =	vld [tilespmem:s11+$0xC470]  }
0xb8: {  	v12 =	vadd.f32 v14, v12;
	v14 =	vld [tilespmem:s11+$0xF460];
	v20 =	vadd.f32 v23, v20  }
0xb9: {  	v11 =	vadd.f32 v11, v13;
	v13 =	vadd.f32 v19, v15;
	v15 =	vld [tilespmem:s11+$0xF470]  }
0xba: {  	v10 =	vadd.f32 v10, v12;
	v12 =	vld [tilespmem:s11+$0x12460];
	v18 =	vadd.f32 v18, v20  }
0xbb: {  	v5 =	vadd.f32 v5, v11;
	v11 =	vadd.f32 v17, v13;
	v13 =	vld [tilespmem:s11+$0x12470]  }
0xbc: {  	v4 =	vadd.f32 v4, v10;
	v10 =	vld [tilespmem:s11+$0x15460];
	v16 =	vadd.f32 v16, v18  }
0xbd: {  	s1 =	sshra.s32 s31, $0x2;
	v17 =	vmax.f32 v6, $0.0e+00;
	v3 =	vadd.f32 v3, v5;
	v5 =	vadd.f32 v14, v11;
	v11 =	vld [tilespmem:s11+$0x15470]  }
0xbe: {  	v14 =	vmax.f32 v7, $0.0e+00;
	v6 =	vld [tilespmem:s1+$0x15400];
	[tilespmem:s11+$0x18400] =	vst v17;
	v2 =	vadd.f32 v2, v4;
	v4 =	vadd.f32 v15, v16  }
0xbf: {  	v7 =	vld [tilespmem:s1+$0x15410];
	[tilespmem:s11+$0x18410] =	vst v14;
	v14 =	vmax.f32 v8, $0.0e+00;
	v1 =	vadd.f32 v1, v3;
	v3 =	vadd.f32 v12, v5  }
0xc0: {  	v5 =	vmax.f32 v9, $0.0e+00;
	v8 =	vld [tilespmem:s1+$0x15420];
	[tilespmem:s11+$0x18420] =	vst v14;
	v0 =	vadd.f32 v0, v2;
	v2 =	vadd.f32 v13, v4  }
0xc1: {  	v9 =	vld [tilespmem:s1+$0x15430];
	[tilespmem:s11+$0x18430] =	vst v5;
	v4 =	vmax.f32 v1, $0.0e+00;
	v3 =	vadd.f32 v10, v3  }
0xc2: {  	v1 =	vld [tilespmem:s1+$0x15440];
	[tilespmem:s11+$0x18440] =	vst v4;
	v4 =	vmax.f32 v0, $0.0e+00;
	v2 =	vadd.f32 v11, v2  }
0xc3: {  	v0 =	vld [tilespmem:s1+$0x15450];
	[tilespmem:s11+$0x18450] =	vst v4;
	v3 =	vmax.f32 v3, $0.0e+00  }
0xc4: {  	v25 =	vld [tilespmem:s1+$0x12400];
	[tilespmem:s11+$0x18460] =	vst v3;
	v2 =	vmax.f32 v2, $0.0e+00  }
0xc5: {  	v26 =	vld [tilespmem:s1+$0x12410];
	[tilespmem:s11+$0x18470] =	vst v2;
	s11 =	smov.u32 s1  }
0xc6: {  	v13 =	vld [tilespmem:s11+$0x12420]  }
0xc7: {  	v12 =	vld [tilespmem:s11+$0x12430]  }
0xc8: {  	v3 =	vld [tilespmem:s11+$0x12440]  }
0xc9: {  	v2 =	vld [tilespmem:s11+$0x12450]  }
0xca: {  	v20 =	vld [tilespmem:s11+$0xF400]  }
0xcb: {  	v24 =	vld [tilespmem:s11+$0xF410]  }
0xcc: {  	v28 =	vld [tilespmem:s11+$0xF420]  }
0xcd: {  	v30 =	vld [tilespmem:s11+$0xF430]  }
0xce: {  	v5 =	vld [tilespmem:s11+$0xF440]  }
0xcf: {  	v4 =	vld [tilespmem:s11+$0xF450]  }
0xd0: {  	v22 =	vld [tilespmem:s11+$0xC400]  }
0xd1: {  	v23 =	vld [tilespmem:s11+$0xC410]  }
0xd2: {  	v27 =	vld [tilespmem:s11+$0xC420]  }
0xd3: {  	v29 =	vld [tilespmem:s11+$0xC430]  }
0xd4: {  	v11 =	vld [tilespmem:s11+$0xC440]  }
0xd5: {  	v10 =	vld [tilespmem:s11+$0xC450]  }
0xd6: {  	v19 =	vld [tilespmem:s11+$0x9400]  }
0xd7: {  	v21 =	vld [tilespmem:s11+$0x9410]  }
0xd8: {  	v31 =	vld [tilespmem:s11+$0x9420]  }
0xd9: {  	v32 =	vld [tilespmem:s11+$0x9430]  }
0xda: {  	v15 =	vld [tilespmem:s11+$0x9440]  }
0xdb: {  	v14 =	vld [tilespmem:s11+$0x9450]  }
0xdc: {  	v17 =	vld [tilespmem:s11+$0x6400]  }
0xdd: {  	v18 =	vld [tilespmem:s11+$0x6410]  }
0xde: {  	v16 =	vld [tilespmem:s11+$0x3400]  }
0xdf: {  	v33 =	vld [tilespmem:s11+$0x3410]  }
0xe0: {  	v34 =	vld [tilespmem:s11+$0x400]  }
0xe1: {  	v35 =	vld [tilespmem:s11+$0x410]  }
0xe2: {  	v36 =	vld [tilespmem:s11+$0x420]  }
0xe3: {  	v37 =	vld [tilespmem:s11+$0x430]  }
0xe4: {  	v38 =	vld [tilespmem:s11+$0x18400]  }
0xe5: {  	v39 =	vld [tilespmem:s11+$0x18410]  }
0xe6: {  	v40 =	vld [tilespmem:s11+$0x18420]  }
0xe7: {  	v41 =	vld [tilespmem:s11+$0x18430]  }
0xe8: {  	v42 =	vld [tilespmem:s11+$0x3420]  }
0xe9: {  	v34 =	vadd.f32 v34, v38;
	v38 =	vld [tilespmem:s11+$0x3430]  }
0xea: {  	v35 =	vadd.f32 v35, v39;
	v39 =	vld [tilespmem:s11+$0x6420]  }
0xeb: {  	v34 =	vadd.f32 v16, v34;
	v36 =	vadd.f32 v36, v40;
	v40 =	vld [tilespmem:s11+$0x6430]  }
0xec: {  	v33 =	vadd.f32 v33, v35;
	v35 =	vadd.f32 v37, v41;
	v16 =	vld [tilespmem:s11+$0x6440]  }
0xed: {  	v34 =	vadd.f32 v17, v34;
	v36 =	vadd.f32 v42, v36;
	v17 =	vld [tilespmem:s11+$0x6450]  }
0xee: {  	v33 =	vadd.f32 v18, v33;
	v35 =	vadd.f32 v38, v35;
	v18 =	vld [tilespmem:s11+$0x3440]  }
0xef: {  	v34 =	vadd.f32 v19, v34;
	v36 =	vadd.f32 v39, v36;
	v19 =	vld [tilespmem:s11+$0x3450]  }
0xf0: {  	v33 =	vadd.f32 v21, v33;
	v35 =	vadd.f32 v40, v35;
	v21 =	vld [tilespmem:s11+$0x440]  }
0xf1: {  	v34 =	vadd.f32 v22, v34;
	v31 =	vadd.f32 v31, v36;
	v22 =	vld [tilespmem:s11+$0x450]  }
.Ltmp5:
0xf2: {  	v33 =	vadd.f32 v23, v33;
	v32 =	vadd.f32 v32, v35;
	v23 =	vld [tilespmem:s11+$0x460];
	(pc) =	sbr.rel @p1 .LBB2_4-.Ltmp5, $4  }
0xf3: {  	v34 =	vadd.f32 v20, v34;
	v31 =	vadd.f32 v27, v31;
	v20 =	vld [tilespmem:s11+$0x470]  }
0xf4: {  	v33 =	vadd.f32 v24, v33;
	v32 =	vadd.f32 v29, v32;
	v24 =	vld [tilespmem:s11+$0x18440]  }
0xf5: {  	v27 =	vadd.f32 v25, v34;
	v28 =	vadd.f32 v28, v31;
	v25 =	vld [tilespmem:s11+$0x18450]  }
0xf6: {  	s31 =	sadd.s32 $0x200, s31;
	v29 =	vadd.f32 v26, v33;
	v30 =	vadd.f32 v30, v32;
	v26 =	vld [tilespmem:s11+$0x18460]  }
0xf7: {  	v6 =	vadd.f32 v6, v27;
	v13 =	vadd.f32 v13, v28;
	v32 =	vld [tilespmem:s11+$0x18470]  }
0xf8: {  	v33 =	vld [tilespmem:s11+$0x3460];
	v7 =	vadd.f32 v7, v29;
	v12 =	vadd.f32 v12, v30  }
0xf9: {  	v35 =	vld [tilespmem:s11+$0x3470];
	v8 =	vadd.f32 v8, v13;
	v34 =	vadd.f32 v21, v24  }
0xfa: {  	v37 =	vld [tilespmem:s11+$0x6460];
	v9 =	vadd.f32 v9, v12;
	v36 =	vadd.f32 v22, v25  }
0xfb: {  	v39 =	vld [tilespmem:s11+$0x6470];
	v13 =	vadd.f32 v18, v34;
	v38 =	vadd.f32 v23, v26  }
0xfc: {  	v40 =	vld [tilespmem:s11+$0x9460];
	v12 =	vadd.f32 v19, v36;
	v20 =	vadd.f32 v20, v32  }
0xfd: {  	v42 =	vld [tilespmem:s11+$0x9470];
	v13 =	vadd.f32 v16, v13;
	v41 =	vadd.f32 v33, v38  }
0xfe: {  	v43 =	vld [tilespmem:s11+$0xC460];
	v12 =	vadd.f32 v17, v12;
	v20 =	vadd.f32 v35, v20  }
0xff: {  	v45 =	vld [tilespmem:s11+$0xC470];
	v13 =	vadd.f32 v15, v13;
	v44 =	vadd.f32 v37, v41  }
0x100: {  	v46 =	vld [tilespmem:s11+$0xF460];
	v12 =	vadd.f32 v14, v12;
	v20 =	vadd.f32 v39, v20  }
0x101: {  	v48 =	vld [tilespmem:s11+$0xF470];
	v11 =	vadd.f32 v11, v13;
	v47 =	vadd.f32 v40, v44  }
0x102: {  	v49 =	vld [tilespmem:s11+$0x12460];
	v10 =	vadd.f32 v10, v12;
	v18 =	vadd.f32 v42, v20  }
0x103: {  	v51 =	vld [tilespmem:s11+$0x12470];
	v5 =	vadd.f32 v5, v11;
	v50 =	vadd.f32 v43, v47  }
0x104: {  	v52 =	vld [tilespmem:s11+$0x15460];
	v4 =	vadd.f32 v4, v10;
	v16 =	vadd.f32 v45, v18  }
0x105: {  	v54 =	vld [tilespmem:s11+$0x15470];
	v6 =	vmax.f32 v6, $0.0e+00;
	v3 =	vadd.f32 v3, v5;
	v53 =	vadd.f32 v46, v50  }
0x106: {  	[tilespmem:s11+$0x18400] =	vst v6;
	v55 =	vmax.f32 v7, $0.0e+00;
	v2 =	vadd.f32 v2, v4;
	v56 =	vadd.f32 v48, v16  }
0x107: {  	[tilespmem:s11+$0x18410] =	vst v55;
	v57 =	vmax.f32 v8, $0.0e+00;
	v1 =	vadd.f32 v1, v3;
	v58 =	vadd.f32 v49, v53  }
0x108: {  	[tilespmem:s11+$0x18420] =	vst v57;
	v59 =	vmax.f32 v9, $0.0e+00;
	v0 =	vadd.f32 v0, v2;
	v60 =	vadd.f32 v51, v56  }
0x109: {  	[tilespmem:s11+$0x18430] =	vst v59;
	v1 =	vmax.f32 v1, $0.0e+00;
	v3 =	vadd.f32 v52, v58  }
0x10a: {  	[tilespmem:s11+$0x18440] =	vst v1;
	v0 =	vmax.f32 v0, $0.0e+00;
	v61 =	vadd.f32 v54, v60  }
0x10b: {  	[tilespmem:s11+$0x18450] =	vst v0;
	v62 =	vmax.f32 v3, $0.0e+00  }
0x10c: {  	[tilespmem:s11+$0x18460] =	vst v62;
	v63 =	vmax.f32 v61, $0.0e+00  }
0x10d: {  	s1 =	simm.s32 @p0 $0x0;
	[tilespmem:s11+$0x18470] =	vst v63;
	s11 =	simm.s32 @p0 $0x18400  }
0x10e: {  	[hbm4b:s10+s1] =	stream.linear.scatter @p0 [tilespmem:s11], [sflag:$0x2], $0x2800, $0x38;
	[tilespmem:$0x1B400] =	vst v63  }
0x10f: {  	s1 =	simm.s32 @p0 $0x2  }
0x110: {  	_ =	swait.ge @p0 [sflag:s1], $0x2800  }
0x111: {  	[sflag:s1] =	ssyncset.done @p0 $0x0  }
0x112: {  	[sflag:s1] =	ssyncadd.s32 @p0 $0xFFFFD800  }
0x113: {  	s1 =	rddreg [dreg:$0x1]  }
0x114: {  	s11 =	simm.s32 @!p0 $0x18400;
	s1 =	sadd.s32 @!p0 s1, s4;
	s4 =	simm.s32 @!p0 $0x0  }
0x115: {  	[hbm4b:s1+s4] =	stream.linear.scatter @!p0 [tilespmem:s11], [sflag:$0x3], $0x3000, $0x38;
	[tilespmem:$0x1B400] =	vst v63  }
.Ltmp6:
0x116: {  	_ = 	snop;
	(pc) =	sbr.rel .LBB2_6-.Ltmp6, $4  }
0x117: {  	s1 =	simm.s32 @!p0 $0x3  }
0x118: {  	_ =	swait.ge @!p0 [sflag:s1], $0x3000  }
0x119: {  	[sflag:s1] =	ssyncset.done @!p0 $0x0  }
0x11a: {  	[sflag:s1] =	ssyncadd.s32 @!p0 $0xFFFFD000  }
.LBB2_8:
0x11b: {  	_ =	sfence.sel $0x180000  }
0x11c: {  	[bflag:$0x0] =	sbarrier.arrive $0xFFFF  }
0x11d: {  	_ =	strace $0x90000047  }
0x11e: {  	s0 =	stileid.u32;
	[bflag:$0x2] =	sbarrier.arrive $0xFFFF  }
0x11f: {  	p0 =	sne.s32 s0, $0x0;
	s0 =	rddreg [dreg:$0x2]  }
0x120: {  	s0 =	sadd.s32 @!p0 $0x100000, s0  }
0x121: {  	[sflag:s0] =	ssyncadd.tile.s32 @!p0 $0x1;
	_ =	shalt  }
.Lfunc_end2:
_tile_overlayer_lowered:
.L_overlay_start_2:
0x122: {  	(tag) =	ssettag $0x2  }
0x123: {  	s0 =	rddreg [dreg:$0x0];
	s2 =	stileid.u32  }
0x124: {  	s1 =	rddreg [dreg:$0x1];
	p0 =	sne.s32 s2, $0x0  }
0x125: {  	s3 =	rddreg [dreg:$0x2];
	[bflag:$0x3] =	sbarrier.arrive $0xFFFF;
	s2 =	simm.s32 @!p0 $0x1C02  }
0x126: {  	[timem:s3], [sflag:s2] =	dma.local @!p0 [hbm:s0], s1  }
0x127: {  	s0 =	simm.s32 @!p0 $0x2  }
0x128: {  	_ =	swait.ge @!p0 [sflag:s0], s1  }
0x129: {  	s1 =	ssub.s32 @!p0 $0x0, s1;
	[sflag:s0] =	ssyncset.done @!p0 $0x0  }
0x12a: {  	[sflag:s0] =	ssyncadd.s32 @!p0 s1  }
0x12b: {  	[bflag:$0x3] =	sbarrier.arrive $0xFFFF  }
0x12c: {  	_ =	shalt  }

</sc_bundles>
